<compile_context>
chip_gen: v7x
topology: tpu7x:2x2x1
jax: 0.10.2.dev20260603
libtpu: 0.0.44.dev20260713+nightly
codegen_flags: <defaults>
</compile_context>

<pallas_src>
import functools

import jax
import jax.numpy as jnp
from jax import lax
from jax.experimental import pallas as pl
from jax.experimental.pallas import tpu as pltpu
from jax.experimental.pallas import tpu_sc as plsc

N = 10000
E = 320000
IN_DIM = 128
EMBED_DIM = 128
OUT_DIM = 64

BM1 = 512
NPAD = 10240
K = 128
NW = 32
CHUNKS_PER_TILE = 81
EDGES_PAD = NW * CHUNKS_PER_TILE * K
ACC_W = 80
NACC = 10240
ROWS_PER_TILE = NACC // 16


def _encoder_body(x_ref, wdt_ref, b_ref, wgt_ref, avs_ref, avd_ref,
                  hw_ref, asrc_ref, adst_ref, ms_ref, md_ref):
    h = jnp.dot(x_ref[...], wdt_ref[...], preferred_element_type=jnp.float32)
    h = jnp.maximum(h + b_ref[...], 0.0)
    hw = jnp.dot(h, wgt_ref[...], preferred_element_type=jnp.float32)
    hw_ref[...] = hw
    a_s = jnp.dot(hw, avs_ref[...], preferred_element_type=jnp.float32)
    a_d = jnp.dot(hw, avd_ref[...], preferred_element_type=jnp.float32)
    asrc_ref[...] = a_s
    adst_ref[...] = a_d

    @pl.when(pl.program_id(0) == 0)
    def _():
        ms_ref[...] = jnp.full((1, 1), -1e30, jnp.float32)
        md_ref[...] = jnp.full((1, 1), -1e30, jnp.float32)

    ms_ref[...] = jnp.maximum(ms_ref[...], jnp.max(a_s))
    md_ref[...] = jnp.maximum(md_ref[...], jnp.max(a_d))


def _encoder(x_pad, wdt, b2d, wgt, att_s, att_d):
    grid = NPAD // BM1
    return pl.pallas_call(
        _encoder_body,
        grid=(grid,),
        in_specs=[
            pl.BlockSpec((BM1, IN_DIM), lambda i: (i, 0)),
            pl.BlockSpec((IN_DIM, EMBED_DIM), lambda i: (0, 0)),
            pl.BlockSpec((1, EMBED_DIM), lambda i: (0, 0)),
            pl.BlockSpec((EMBED_DIM, OUT_DIM), lambda i: (0, 0)),
            pl.BlockSpec((OUT_DIM, 1), lambda i: (0, 0)),
            pl.BlockSpec((OUT_DIM, 1), lambda i: (0, 0)),
        ],
        out_specs=[
            pl.BlockSpec((BM1, OUT_DIM), lambda i: (i, 0)),
            pl.BlockSpec((BM1, 1), lambda i: (i, 0)),
            pl.BlockSpec((BM1, 1), lambda i: (i, 0)),
            pl.BlockSpec((1, 1), lambda i: (0, 0)),
            pl.BlockSpec((1, 1), lambda i: (0, 0)),
        ],
        out_shape=[
            jax.ShapeDtypeStruct((NPAD, OUT_DIM), jnp.float32),
            jax.ShapeDtypeStruct((NPAD, 1), jnp.float32),
            jax.ShapeDtypeStruct((NPAD, 1), jnp.float32),
            jax.ShapeDtypeStruct((1, 1), jnp.float32),
            jax.ShapeDtypeStruct((1, 1), jnp.float32),
        ],
    )(x_pad, wdt, b2d, wgt, att_s, att_d)


def _sc_edge_body(sd_hbm, hw_hbm, asrc_hbm, adst_hbm, m_hbm,
                  out_hbm, idxall, rb0, rb1, av0, av1, ad0, ad1, pv,
                  sb0, sb1, mvec, acc, gsem0, gsem1, ssem0, ssem1):
    cid = lax.axis_index("c")
    sid = lax.axis_index("s")
    wid = cid * 16 + sid

    idx_cp = pltpu.async_copy(sd_hbm.at[wid], idxall, gsem0)

    z16 = jnp.zeros((16,), jnp.float32)

    def zrow(i, carry):
        for j in range(ACC_W // 16):
            sb0[i, pl.ds(j * 16, 16)] = z16
        return carry

    lax.fori_loop(0, K, zrow, 0)
    for r in range(ROWS_PER_TILE // K):
        pltpu.sync_copy(sb0, acc.at[pl.ds(sid * ROWS_PER_TILE + r * K, K)])
    pltpu.sync_copy(m_hbm, mvec)
    idx_cp.wait()
    plsc.subcore_barrier()

    lid = lax.iota(jnp.int32, 16)

    def launch_gathers(g, rb, avb, adb, sem):
        pltpu.async_copy(hw_hbm.at[idxall.at[g, 0]], rb, sem)
        pltpu.async_copy(asrc_hbm.at[idxall.at[g, 0]], avb, sem)
        pltpu.async_copy(adst_hbm.at[idxall.at[g, 1]], adb, sem)

    def wait_gathers(rb, avb, adb, sem):
        pltpu.make_async_copy(hw_hbm.at[idxall.at[0, 0]], rb, sem).wait()
        pltpu.make_async_copy(asrc_hbm.at[idxall.at[0, 0]], avb, sem).wait()
        pltpu.make_async_copy(adst_hbm.at[idxall.at[0, 1]], adb, sem).wait()

    def wait_scatter(sb, sem):
        pltpu.make_async_copy(sb, acc.at[idxall.at[0, 1]], sem).wait()

    def process(g, rb, avb, adb, sb, ssem):
        m = mvec[...]
        for j in range(K // 16):
            sl = pl.ds(j * 16, 16)
            e = avb[sl] + adb[sl]
            e = jnp.where(e >= 0.0, e, 0.2 * e)
            pv[sl] = jnp.exp(e - m)

        @plsc.parallel_loop(0, K, unroll=4)
        def scale(ei):
            g16 = (ei // 16) * 16
            pvec = pv[pl.ds(g16, 16)]
            ps = pvec.at[jnp.full((16,), ei - g16, jnp.int32)].get(
                mode="promise_in_bounds")
            for j in range(OUT_DIM // 16):
                sl = pl.ds(j * 16, 16)
                sb[ei, sl] = rb[ei, sl] * ps
            sb[ei, pl.ds(OUT_DIM, 16)] = jnp.where(lid == 0, ps, 0.0)

        pltpu.async_copy(sb, acc.at[idxall.at[g, 1]], ssem, add=True)

    launch_gathers(0, rb0, av0, ad0, gsem0)

    def body(i, carry):
        a = 2 * i
        launch_gathers(a + 1, rb1, av1, ad1, gsem1)
        wait_gathers(rb0, av0, ad0, gsem0)

        @pl.when(i > 0)
        def _():
            wait_scatter(sb0, ssem0)

        process(a, rb0, av0, ad0, sb0, ssem0)
        launch_gathers(a + 2, rb0, av0, ad0, gsem0)
        wait_gathers(rb1, av1, ad1, gsem1)

        @pl.when(i > 0)
        def _():
            wait_scatter(sb1, ssem1)

        process(a + 1, rb1, av1, ad1, sb1, ssem1)
        return carry

    lax.fori_loop(0, (CHUNKS_PER_TILE - 1) // 2, body, 0)

    wait_gathers(rb0, av0, ad0, gsem0)
    wait_scatter(sb0, ssem0)
    process(CHUNKS_PER_TILE - 1, rb0, av0, ad0, sb0, ssem0)
    wait_scatter(sb1, ssem1)
    wait_scatter(sb0, ssem0)
    plsc.subcore_barrier()

    pltpu.sync_copy(acc.at[pl.ds(sid * ROWS_PER_TILE, ROWS_PER_TILE)],
                    out_hbm.at[cid, pl.ds(sid * ROWS_PER_TILE, ROWS_PER_TILE)])


_sc_edge = functools.partial(
    pl.kernel,
    out_type=jax.ShapeDtypeStruct((2, NACC, ACC_W), jnp.float32),
    mesh=plsc.VectorSubcoreMesh(core_axis_name="c", subcore_axis_name="s"),
    compiler_params=pltpu.CompilerParams(use_tc_tiling_on_sc=False),
    scratch_types=(
        [pltpu.VMEM((CHUNKS_PER_TILE, 2, K), jnp.int32)]
        + [pltpu.VMEM((K, OUT_DIM), jnp.float32)] * 2
        + [pltpu.VMEM((K,), jnp.float32)] * 4
        + [pltpu.VMEM((K,), jnp.float32)]
        + [pltpu.VMEM((K, ACC_W), jnp.float32)] * 2
        + [pltpu.VMEM((16,), jnp.float32)]
        + [pltpu.VMEM_SHARED((NACC, ACC_W), jnp.float32)]
        + [pltpu.SemaphoreType.DMA] * 4
    ),
)(_sc_edge_body)


def _assemble_body(a0_ref, a1_ref, b_ref, out_ref):
    s = a0_ref[0] + a1_ref[0]
    numer = s[:, 0:OUT_DIM]
    denom = s[:, OUT_DIM:OUT_DIM + 1]
    out_ref[...] = numer / denom + b_ref[...]


def _assemble(acc2, b2d):
    bm = 400
    grid = N // bm
    return pl.pallas_call(
        _assemble_body,
        grid=(grid,),
        in_specs=[
            pl.BlockSpec((1, bm, ACC_W), lambda i: (0, i, 0)),
            pl.BlockSpec((1, bm, ACC_W), lambda i: (1, i, 0)),
            pl.BlockSpec((1, OUT_DIM), lambda i: (0, 0)),
        ],
        out_specs=pl.BlockSpec((bm, OUT_DIM), lambda i: (i, 0)),
        out_shape=jax.ShapeDtypeStruct((N, OUT_DIM), jnp.float32),
    )(acc2, acc2, b2d)


def _rec_body(l_ref, r_ref, out_ref):
    acc = lax.dot_general(l_ref[...], r_ref[...], (((1,), (1,)), ((), ())),
                          preferred_element_type=jnp.float32)
    out_ref[...] = jax.nn.sigmoid(acc)


def _rec(embed):
    bm = 1024
    bn = 2048
    return pl.pallas_call(
        _rec_body,
        grid=(pl.cdiv(N, bm), pl.cdiv(N, bn)),
        in_specs=[
            pl.BlockSpec((bm, OUT_DIM), lambda i, j: (i, 0)),
            pl.BlockSpec((bn, OUT_DIM), lambda i, j: (j, 0)),
        ],
        out_specs=pl.BlockSpec((bm, bn), lambda i, j: (i, j)),
        out_shape=jax.ShapeDtypeStruct((N, N), jnp.float32),
    )(embed, embed)


def kernel(x, edge_index, W_dense, b_dense, W_gat, att_src, att_dst, b_gat):
    x_pad = jnp.pad(x, ((0, NPAD - N), (0, 0)))
    hw, asrc, adst, ms, md = _encoder(
        x_pad, W_dense.T, b_dense[None, :], W_gat.T,
        att_src[:, None], att_dst[:, None])

    loop = jnp.arange(N, dtype=jnp.int32)
    padi = jnp.full((EDGES_PAD - E - N,), N, jnp.int32)
    srcp = jnp.concatenate([edge_index[0], loop, padi])
    dstp = jnp.concatenate([edge_index[1], loop, padi])
    sd = jnp.concatenate(
        [srcp.reshape(NW, CHUNKS_PER_TILE, 1, K),
         dstp.reshape(NW, CHUNKS_PER_TILE, 1, K)], axis=2)

    s = ms[0, 0] + md[0, 0]
    mbound = jnp.where(s >= 0.0, s, 0.2 * s)
    marr = jnp.full((16,), mbound, jnp.float32)

    acc2 = _sc_edge(sd, hw, asrc[:, 0], adst[:, 0], marr)
    embed = _assemble(acc2, b_gat[None, :])
    rec = _rec(embed)
    return rec, embed

# --- scband reference (transcript-rebuilt; emitter-appended) ---
"""Pipeline reference for scband-structure-ae-38199439131012 (READ-ONLY COPY).

The authoritative reference and input builder live on the scoring server;
editing this copy changes nothing except your own understanding.
"""

import jax, jax.numpy as jnp
import numpy as np

N = 10000
E = 320000
IN_DIM = 128
EMBED_DIM = 128
OUT_DIM = 64


def setup_inputs(seed: int = 0) -> dict:
    key = jax.random.key(seed)
    ks = jax.random.split(key, 8)
    x = jax.random.normal(ks[0], (N, IN_DIM), dtype=jnp.float32)
    edge_index = jax.random.randint(ks[1], (2, E), 0, N, dtype=jnp.int32)
    # dense: Linear(in_dim, embed_dim)
    W_dense = jax.random.normal(ks[2], (EMBED_DIM, IN_DIM), dtype=jnp.float32) * 0.05
    b_dense = jnp.zeros((EMBED_DIM,), dtype=jnp.float32)
    # GATConv(embed_dim, out_dim), heads=1: lin weight, att_src, att_dst, bias
    W_gat = jax.random.normal(ks[3], (OUT_DIM, EMBED_DIM), dtype=jnp.float32) * 0.05
    att_src = jax.random.normal(ks[4], (OUT_DIM,), dtype=jnp.float32) * 0.05
    att_dst = jax.random.normal(ks[5], (OUT_DIM,), dtype=jnp.float32) * 0.05
    b_gat = jnp.zeros((OUT_DIM,), dtype=jnp.float32)
    return {
        "x": x,
        "edge_index": edge_index,
        "W_dense": W_dense,
        "b_dense": b_dense,
        "W_gat": W_gat,
        "att_src": att_src,
        "att_dst": att_dst,
        "b_gat": b_gat,
    }


def reference(x, edge_index, W_dense, b_dense, W_gat, att_src, att_dst, b_gat):
    # x = act(dense(x)); dropout p=0.0 -> identity
    h = jax.nn.relu(x @ W_dense.T + b_dense)
    n = h.shape[0]
    # GATConv (heads=1, add_self_loops=True, negative_slope=0.2)
    loop = jnp.arange(n, dtype=edge_index.dtype)
    src = jnp.concatenate([edge_index[0], loop])
    dst = jnp.concatenate([edge_index[1], loop])
    hW = h @ W_gat.T  # [N, OUT_DIM]
    a_src = (hW * att_src).sum(-1)  # [N]
    a_dst = (hW * att_dst).sum(-1)  # [N]
    e = jax.nn.leaky_relu(a_src[src] + a_dst[dst], 0.2)  # [E+N]
    # segment softmax over destination nodes
    m = jax.ops.segment_max(e, dst, num_segments=n)
    e = jnp.exp(e - m[dst])
    s = jax.ops.segment_sum(e, dst, num_segments=n)
    alpha = e / s[dst]
    embed_x = jax.ops.segment_sum(hW[src] * alpha[:, None], dst, num_segments=n) + b_gat
    rec = jax.nn.sigmoid(embed_x @ embed_x.T)
    return rec, embed_x

if __name__ == "__main__":
    import jax
    _d = setup_inputs()
    print(jax.jit(kernel)(*tuple(_d.values())))

</pallas_src>

<mosaic_0001>
#map = affine_map<(d0, d1) -> (0, 0, 0, 0)>
#map1 = affine_map<(d0, d1) -> (0, 0)>
#map2 = affine_map<(d0, d1) -> (0)>
#map3 = affine_map<(d0, d1) -> (0, 0, 0)>
module attributes {stable_mosaic.version = 14 : i64} {
  func.func @_sc_edge_body(%arg0: i32, %arg1: i32, %arg2: memref<32x81x2x128xi32, #tpu.memory_space<hbm>>, %arg3: memref<10240x64xf32, #tpu.memory_space<hbm>>, %arg4: memref<10240xf32, #tpu.memory_space<hbm>>, %arg5: memref<10240xf32, #tpu.memory_space<hbm>>, %arg6: memref<16xf32, #tpu.memory_space<hbm>>, %arg7: memref<2x10240x80xf32, #tpu.memory_space<hbm>>, %arg8: memref<81x2x128xi32, #tpu.memory_space<vmem>>, %arg9: memref<128x64xf32, #tpu.memory_space<vmem>>, %arg10: memref<128x64xf32, #tpu.memory_space<vmem>>, %arg11: memref<128xf32, #tpu.memory_space<vmem>>, %arg12: memref<128xf32, #tpu.memory_space<vmem>>, %arg13: memref<128xf32, #tpu.memory_space<vmem>>, %arg14: memref<128xf32, #tpu.memory_space<vmem>>, %arg15: memref<128xf32, #tpu.memory_space<vmem>>, %arg16: memref<128x80xf32, #tpu.memory_space<vmem>>, %arg17: memref<128x80xf32, #tpu.memory_space<vmem>>, %arg18: memref<16xf32, #tpu.memory_space<vmem>>, %arg19: memref<10240x80xf32, #tpu.memory_space<vmem_shared>>, %arg20: memref<!tpu.dma_semaphore, #tpu.memory_space<semaphore_mem>>, %arg21: memref<!tpu.dma_semaphore, #tpu.memory_space<semaphore_mem>>, %arg22: memref<!tpu.dma_semaphore, #tpu.memory_space<semaphore_mem>>, %arg23: memref<!tpu.dma_semaphore, #tpu.memory_space<semaphore_mem>>) attributes {dimension_semantics = [#tpu.dimension_semantics<core_parallel>, #tpu.dimension_semantics<subcore_parallel>], iteration_bounds = array<i64: 2, 16>, scalar_prefetch = 0 : i64, scratch_operands = 16 : i64, tpu.core_type = #tpu.core_type<sc_vector_subcore>, window_params = [{transform_indices = #map}, {transform_indices = #map1}, {transform_indices = #map2}, {transform_indices = #map2}, {transform_indices = #map2}, {transform_indices = #map3}]} {
    %mul3A = arith.constant 16 : i32
    %mul3A_0 = arith.muli %arg0, %mul3A : i32
    %add3A = arith.addi %mul3A_0, %arg1 : i32
    %dma_start3A = arith.constant 0 : i32
    %dma_start3A_1 = arith.constant 0 : i32
    %dma_start3A_2 = arith.constant 0 : i32
    %dma_start3A_3 = tpu.memref_slice %arg2[%add3A, %dma_start3A, %dma_start3A_1, %dma_start3A_2] : memref<32x81x2x128xi32, #tpu.memory_space<hbm>> -> memref<1x81x2x128xi32, #tpu.memory_space<hbm>>
    %dma_start3A_4 = tpu.memref_squeeze %dma_start3A_3 : memref<1x81x2x128xi32, #tpu.memory_space<hbm>> -> memref<81x2x128xi32, #tpu.memory_space<hbm>>
    %dma_start3A_5 = arith.constant 0 : i32
    %dma_start3A_6 = arith.constant 0 : i32
    %dma_start3A_7 = arith.constant 0 : i32
    %dma_start3A_8 = tpu.memref_slice %arg2[%add3A, %dma_start3A_5, %dma_start3A_6, %dma_start3A_7] : memref<32x81x2x128xi32, #tpu.memory_space<hbm>> -> memref<1x81x2x128xi32, #tpu.memory_space<hbm>>
    %dma_start3A_9 = tpu.memref_squeeze %dma_start3A_8 : memref<1x81x2x128xi32, #tpu.memory_space<hbm>> -> memref<81x2x128xi32, #tpu.memory_space<hbm>>
    tpu.enqueue_dma source(%dma_start3A_9 : memref<81x2x128xi32, #tpu.memory_space<hbm>>) target(%arg8 : memref<81x2x128xi32, #tpu.memory_space<vmem>>) target_semaphore(%arg20 : memref<!tpu.dma_semaphore, #tpu.memory_space<semaphore_mem>>)
    %broadcast_in_dim3A = arith.constant 0.000000e+00 : f32
    %broadcast_in_dim3A_10 = vector.broadcast %broadcast_in_dim3A : f32 to vector<16xf32>
    %scan3A = arith.constant 0 : i32
    %scan3A_11 = arith.constant 0 : i32
    %scan3A_12 = arith.constant 128 : i32
    %scan3A_13 = arith.addi %scan3A_11, %scan3A_12 : i32
    %scan3A_14 = arith.constant 1 : i32
    scf.for %scan3A_291 = %scan3A_11 to %scan3A_13 step %scan3A_14  : i32 {
      %swap3A_292 = arith.index_cast %scan3A_291 : i32 to index
      %swap3A_293 = arith.constant 0 : index
      %swap3A_294 = tpu.vector_load %arg16[%swap3A_292, %swap3A_293] {strides = array<i32>} : memref<128x80xf32, #tpu.memory_space<vmem>>, vector<1x16xf32>,
      %swap3A_295 = vector.shape_cast %swap3A_294 : vector<1x16xf32> to vector<16xf32>
      %swap3A_296 = vector.shape_cast %broadcast_in_dim3A_10 : vector<16xf32> to vector<1x16xf32>
      tpu.vector_store %arg16[%swap3A_292, %swap3A_293], %swap3A_296 {strides = array<i32>} : memref<128x80xf32, #tpu.memory_space<vmem>>, vector<1x16xf32>,
      %swap3A_297 = arith.index_cast %scan3A_291 : i32 to index
      %swap3A_298 = arith.constant 16 : index
      %swap3A_299 = tpu.vector_load %arg16[%swap3A_297, %swap3A_298] {strides = array<i32>} : memref<128x80xf32, #tpu.memory_space<vmem>>, vector<1x16xf32>,
      %swap3A_300 = vector.shape_cast %swap3A_299 : vector<1x16xf32> to vector<16xf32>
      %swap3A_301 = vector.shape_cast %broadcast_in_dim3A_10 : vector<16xf32> to vector<1x16xf32>
      tpu.vector_store %arg16[%swap3A_297, %swap3A_298], %swap3A_301 {strides = array<i32>} : memref<128x80xf32, #tpu.memory_space<vmem>>, vector<1x16xf32>,
      %swap3A_302 = arith.index_cast %scan3A_291 : i32 to index
      %swap3A_303 = arith.constant 32 : index
      %swap3A_304 = tpu.vector_load %arg16[%swap3A_302, %swap3A_303] {strides = array<i32>} : memref<128x80xf32, #tpu.memory_space<vmem>>, vector<1x16xf32>,
      %swap3A_305 = vector.shape_cast %swap3A_304 : vector<1x16xf32> to vector<16xf32>
      %swap3A_306 = vector.shape_cast %broadcast_in_dim3A_10 : vector<16xf32> to vector<1x16xf32>
      tpu.vector_store %arg16[%swap3A_302, %swap3A_303], %swap3A_306 {strides = array<i32>} : memref<128x80xf32, #tpu.memory_space<vmem>>, vector<1x16xf32>,
      %swap3A_307 = arith.index_cast %scan3A_291 : i32 to index
      %swap3A_308 = arith.constant 48 : index
      %swap3A_309 = tpu.vector_load %arg16[%swap3A_307, %swap3A_308] {strides = array<i32>} : memref<128x80xf32, #tpu.memory_space<vmem>>, vector<1x16xf32>,
      %swap3A_310 = vector.shape_cast %swap3A_309 : vector<1x16xf32> to vector<16xf32>
      %swap3A_311 = vector.shape_cast %broadcast_in_dim3A_10 : vector<16xf32> to vector<1x16xf32>
      tpu.vector_store %arg16[%swap3A_307, %swap3A_308], %swap3A_311 {strides = array<i32>} : memref<128x80xf32, #tpu.memory_space<vmem>>, vector<1x16xf32>,
      %swap3A_312 = arith.index_cast %scan3A_291 : i32 to index
      %swap3A_313 = arith.constant 64 : index
      %swap3A_314 = tpu.vector_load %arg16[%swap3A_312, %swap3A_313] {strides = array<i32>} : memref<128x80xf32, #tpu.memory_space<vmem>>, vector<1x16xf32>,
      %swap3A_315 = vector.shape_cast %swap3A_314 : vector<1x16xf32> to vector<16xf32>
      %swap3A_316 = vector.shape_cast %broadcast_in_dim3A_10 : vector<16xf32> to vector<1x16xf32>
      tpu.vector_store %arg16[%swap3A_312, %swap3A_313], %swap3A_316 {strides = array<i32>} : memref<128x80xf32, #tpu.memory_space<vmem>>, vector<1x16xf32>,
    }
    %scan3A_15 = arith.constant 128 : i32
    %mul3A_16 = arith.constant 640 : i32
    %mul3A_17 = arith.muli %arg1, %mul3A_16 : i32
    %add3A_18 = arith.constant 0 : i32
    %add3A_19 = arith.addi %mul3A_17, %add3A_18 : i32
    "tpu.region"() ({
      %run_scoped3A = tpu.sem_alloc : memref<!tpu.dma_semaphore, #tpu.memory_space<semaphore_mem>>
      %dma_start3A_291 = arith.constant 0 : i32
      %dma_start3A_292 = tpu.memref_slice %arg19[%add3A_19, %dma_start3A_291] : memref<10240x80xf32, #tpu.memory_space<vmem_shared>> -> memref<128x80xf32, #tpu.memory_space<vmem_shared>>
      %dma_start3A_293 = arith.constant 0 : i32
      %dma_start3A_294 = tpu.memref_slice %arg19[%add3A_19, %dma_start3A_293] : memref<10240x80xf32, #tpu.memory_space<vmem_shared>> -> memref<128x80xf32, #tpu.memory_space<vmem_shared>>
      tpu.enqueue_dma source(%arg16 : memref<128x80xf32, #tpu.memory_space<vmem>>) target(%dma_start3A_294 : memref<128x80xf32, #tpu.memory_space<vmem_shared>>) target_semaphore(%run_scoped3A : memref<!tpu.dma_semaphore, #tpu.memory_space<semaphore_mem>>)
      %dma_wait3A_295 = arith.constant 0 : i32
      %dma_wait3A_296 = tpu.memref_slice %arg19[%add3A_19, %dma_wait3A_295] : memref<10240x80xf32, #tpu.memory_space<vmem_shared>> -> memref<128x80xf32, #tpu.memory_space<vmem_shared>>
      %dma_wait3A_297 = arith.constant 0 : i32
      %dma_wait3A_298 = tpu.memref_slice %arg19[%add3A_19, %dma_wait3A_297] : memref<10240x80xf32, #tpu.memory_space<vmem_shared>> -> memref<128x80xf32, #tpu.memory_space<vmem_shared>>
      tpu.wait_dma2 semaphore(%run_scoped3A : memref<!tpu.dma_semaphore, #tpu.memory_space<semaphore_mem>>) src(%arg16 : memref<128x80xf32, #tpu.memory_space<vmem>>) dst(%dma_wait3A_298 : memref<128x80xf32, #tpu.memory_space<vmem_shared>>)
      tpu.yield
    }) : () -> ()
    %mul3A_20 = arith.constant 640 : i32
    %mul3A_21 = arith.muli %arg1, %mul3A_20 : i32
    %add3A_22 = arith.constant 128 : i32
    %add3A_23 = arith.addi %mul3A_21, %add3A_22 : i32
    "tpu.region"() ({
      %run_scoped3A = tpu.sem_alloc : memref<!tpu.dma_semaphore, #tpu.memory_space<semaphore_mem>>
      %dma_start3A_291 = arith.constant 0 : i32
      %dma_start3A_292 = tpu.memref_slice %arg19[%add3A_23, %dma_start3A_291] : memref<10240x80xf32, #tpu.memory_space<vmem_shared>> -> memref<128x80xf32, #tpu.memory_space<vmem_shared>>
      %dma_start3A_293 = arith.constant 0 : i32
      %dma_start3A_294 = tpu.memref_slice %arg19[%add3A_23, %dma_start3A_293] : memref<10240x80xf32, #tpu.memory_space<vmem_shared>> -> memref<128x80xf32, #tpu.memory_space<vmem_shared>>
      tpu.enqueue_dma source(%arg16 : memref<128x80xf32, #tpu.memory_space<vmem>>) target(%dma_start3A_294 : memref<128x80xf32, #tpu.memory_space<vmem_shared>>) target_semaphore(%run_scoped3A : memref<!tpu.dma_semaphore, #tpu.memory_space<semaphore_mem>>)
      %dma_wait3A_295 = arith.constant 0 : i32
      %dma_wait3A_296 = tpu.memref_slice %arg19[%add3A_23, %dma_wait3A_295] : memref<10240x80xf32, #tpu.memory_space<vmem_shared>> -> memref<128x80xf32, #tpu.memory_space<vmem_shared>>
      %dma_wait3A_297 = arith.constant 0 : i32
      %dma_wait3A_298 = tpu.memref_slice %arg19[%add3A_23, %dma_wait3A_297] : memref<10240x80xf32, #tpu.memory_space<vmem_shared>> -> memref<128x80xf32, #tpu.memory_space<vmem_shared>>
      tpu.wait_dma2 semaphore(%run_scoped3A : memref<!tpu.dma_semaphore, #tpu.memory_space<semaphore_mem>>) src(%arg16 : memref<128x80xf32, #tpu.memory_space<vmem>>) dst(%dma_wait3A_298 : memref<128x80xf32, #tpu.memory_space<vmem_shared>>)
      tpu.yield
    }) : () -> ()
    %mul3A_24 = arith.constant 640 : i32
    %mul3A_25 = arith.muli %arg1, %mul3A_24 : i32
    %add3A_26 = arith.constant 256 : i32
    %add3A_27 = arith.addi %mul3A_25, %add3A_26 : i32
    "tpu.region"() ({
      %run_scoped3A = tpu.sem_alloc : memref<!tpu.dma_semaphore, #tpu.memory_space<semaphore_mem>>
      %dma_start3A_291 = arith.constant 0 : i32
      %dma_start3A_292 = tpu.memref_slice %arg19[%add3A_27, %dma_start3A_291] : memref<10240x80xf32, #tpu.memory_space<vmem_shared>> -> memref<128x80xf32, #tpu.memory_space<vmem_shared>>
      %dma_start3A_293 = arith.constant 0 : i32
      %dma_start3A_294 = tpu.memref_slice %arg19[%add3A_27, %dma_start3A_293] : memref<10240x80xf32, #tpu.memory_space<vmem_shared>> -> memref<128x80xf32, #tpu.memory_space<vmem_shared>>
      tpu.enqueue_dma source(%arg16 : memref<128x80xf32, #tpu.memory_space<vmem>>) target(%dma_start3A_294 : memref<128x80xf32, #tpu.memory_space<vmem_shared>>) target_semaphore(%run_scoped3A : memref<!tpu.dma_semaphore, #tpu.memory_space<semaphore_mem>>)
      %dma_wait3A_295 = arith.constant 0 : i32
      %dma_wait3A_296 = tpu.memref_slice %arg19[%add3A_27, %dma_wait3A_295] : memref<10240x80xf32, #tpu.memory_space<vmem_shared>> -> memref<128x80xf32, #tpu.memory_space<vmem_shared>>
      %dma_wait3A_297 = arith.constant 0 : i32
      %dma_wait3A_298 = tpu.memref_slice %arg19[%add3A_27, %dma_wait3A_297] : memref<10240x80xf32, #tpu.memory_space<vmem_shared>> -> memref<128x80xf32, #tpu.memory_space<vmem_shared>>
      tpu.wait_dma2 semaphore(%run_scoped3A : memref<!tpu.dma_semaphore, #tpu.memory_space<semaphore_mem>>) src(%arg16 : memref<128x80xf32, #tpu.memory_space<vmem>>) dst(%dma_wait3A_298 : memref<128x80xf32, #tpu.memory_space<vmem_shared>>)
      tpu.yield
    }) : () -> ()
    %mul3A_28 = arith.constant 640 : i32
    %mul3A_29 = arith.muli %arg1, %mul3A_28 : i32
    %add3A_30 = arith.constant 384 : i32
    %add3A_31 = arith.addi %mul3A_29, %add3A_30 : i32
    "tpu.region"() ({
      %run_scoped3A = tpu.sem_alloc : memref<!tpu.dma_semaphore, #tpu.memory_space<semaphore_mem>>
      %dma_start3A_291 = arith.constant 0 : i32
      %dma_start3A_292 = tpu.memref_slice %arg19[%add3A_31, %dma_start3A_291] : memref<10240x80xf32, #tpu.memory_space<vmem_shared>> -> memref<128x80xf32, #tpu.memory_space<vmem_shared>>
      %dma_start3A_293 = arith.constant 0 : i32
      %dma_start3A_294 = tpu.memref_slice %arg19[%add3A_31, %dma_start3A_293] : memref<10240x80xf32, #tpu.memory_space<vmem_shared>> -> memref<128x80xf32, #tpu.memory_space<vmem_shared>>
      tpu.enqueue_dma source(%arg16 : memref<128x80xf32, #tpu.memory_space<vmem>>) target(%dma_start3A_294 : memref<128x80xf32, #tpu.memory_space<vmem_shared>>) target_semaphore(%run_scoped3A : memref<!tpu.dma_semaphore, #tpu.memory_space<semaphore_mem>>)
      %dma_wait3A_295 = arith.constant 0 : i32
      %dma_wait3A_296 = tpu.memref_slice %arg19[%add3A_31, %dma_wait3A_295] : memref<10240x80xf32, #tpu.memory_space<vmem_shared>> -> memref<128x80xf32, #tpu.memory_space<vmem_shared>>
      %dma_wait3A_297 = arith.constant 0 : i32
      %dma_wait3A_298 = tpu.memref_slice %arg19[%add3A_31, %dma_wait3A_297] : memref<10240x80xf32, #tpu.memory_space<vmem_shared>> -> memref<128x80xf32, #tpu.memory_space<vmem_shared>>
      tpu.wait_dma2 semaphore(%run_scoped3A : memref<!tpu.dma_semaphore, #tpu.memory_space<semaphore_mem>>) src(%arg16 : memref<128x80xf32, #tpu.memory_space<vmem>>) dst(%dma_wait3A_298 : memref<128x80xf32, #tpu.memory_space<vmem_shared>>)
      tpu.yield
    }) : () -> ()
    %mul3A_32 = arith.constant 640 : i32
    %mul3A_33 = arith.muli %arg1, %mul3A_32 : i32
    %add3A_34 = arith.constant 512 : i32
    %add3A_35 = arith.addi %mul3A_33, %add3A_34 : i32
    "tpu.region"() ({
      %run_scoped3A = tpu.sem_alloc : memref<!tpu.dma_semaphore, #tpu.memory_space<semaphore_mem>>
      %dma_start3A_291 = arith.constant 0 : i32
      %dma_start3A_292 = tpu.memref_slice %arg19[%add3A_35, %dma_start3A_291] : memref<10240x80xf32, #tpu.memory_space<vmem_shared>> -> memref<128x80xf32, #tpu.memory_space<vmem_shared>>
      %dma_start3A_293 = arith.constant 0 : i32
      %dma_start3A_294 = tpu.memref_slice %arg19[%add3A_35, %dma_start3A_293] : memref<10240x80xf32, #tpu.memory_space<vmem_shared>> -> memref<128x80xf32, #tpu.memory_space<vmem_shared>>
      tpu.enqueue_dma source(%arg16 : memref<128x80xf32, #tpu.memory_space<vmem>>) target(%dma_start3A_294 : memref<128x80xf32, #tpu.memory_space<vmem_shared>>) target_semaphore(%run_scoped3A : memref<!tpu.dma_semaphore, #tpu.memory_space<semaphore_mem>>)
      %dma_wait3A_295 = arith.constant 0 : i32
      %dma_wait3A_296 = tpu.memref_slice %arg19[%add3A_35, %dma_wait3A_295] : memref<10240x80xf32, #tpu.memory_space<vmem_shared>> -> memref<128x80xf32, #tpu.memory_space<vmem_shared>>
      %dma_wait3A_297 = arith.constant 0 : i32
      %dma_wait3A_298 = tpu.memref_slice %arg19[%add3A_35, %dma_wait3A_297] : memref<10240x80xf32, #tpu.memory_space<vmem_shared>> -> memref<128x80xf32, #tpu.memory_space<vmem_shared>>
      tpu.wait_dma2 semaphore(%run_scoped3A : memref<!tpu.dma_semaphore, #tpu.memory_space<semaphore_mem>>) src(%arg16 : memref<128x80xf32, #tpu.memory_space<vmem>>) dst(%dma_wait3A_298 : memref<128x80xf32, #tpu.memory_space<vmem_shared>>)
      tpu.yield
    }) : () -> ()
    "tpu.region"() ({
      %run_scoped3A = tpu.sem_alloc : memref<!tpu.dma_semaphore, #tpu.memory_space<semaphore_mem>>
      tpu.enqueue_dma source(%arg6 : memref<16xf32, #tpu.memory_space<hbm>>) target(%arg18 : memref<16xf32, #tpu.memory_space<vmem>>) target_semaphore(%run_scoped3A : memref<!tpu.dma_semaphore, #tpu.memory_space<semaphore_mem>>)
      tpu.wait_dma2 semaphore(%run_scoped3A : memref<!tpu.dma_semaphore, #tpu.memory_space<semaphore_mem>>) src(%arg6 : memref<16xf32, #tpu.memory_space<hbm>>) dst(%arg18 : memref<16xf32, #tpu.memory_space<vmem>>)
      tpu.yield
    }) : () -> ()
    %dma_wait3A = arith.constant 0 : i32
    %dma_wait3A_36 = arith.constant 0 : i32
    %dma_wait3A_37 = arith.constant 0 : i32
    %dma_wait3A_38 = tpu.memref_slice %arg2[%add3A, %dma_wait3A, %dma_wait3A_36, %dma_wait3A_37] : memref<32x81x2x128xi32, #tpu.memory_space<hbm>> -> memref<1x81x2x128xi32, #tpu.memory_space<hbm>>
    %dma_wait3A_39 = tpu.memref_squeeze %dma_wait3A_38 : memref<1x81x2x128xi32, #tpu.memory_space<hbm>> -> memref<81x2x128xi32, #tpu.memory_space<hbm>>
    %dma_wait3A_40 = arith.constant 0 : i32
    %dma_wait3A_41 = arith.constant 0 : i32
    %dma_wait3A_42 = arith.constant 0 : i32
    %dma_wait3A_43 = tpu.memref_slice %arg2[%add3A, %dma_wait3A_40, %dma_wait3A_41, %dma_wait3A_42] : memref<32x81x2x128xi32, #tpu.memory_space<hbm>> -> memref<1x81x2x128xi32, #tpu.memory_space<hbm>>
    %dma_wait3A_44 = tpu.memref_squeeze %dma_wait3A_43 : memref<1x81x2x128xi32, #tpu.memory_space<hbm>> -> memref<81x2x128xi32, #tpu.memory_space<hbm>>
    tpu.wait_dma2 semaphore(%arg20 : memref<!tpu.dma_semaphore, #tpu.memory_space<semaphore_mem>>) src(%dma_wait3A_44 : memref<81x2x128xi32, #tpu.memory_space<hbm>>) dst(%arg8 : memref<81x2x128xi32, #tpu.memory_space<vmem>>)
    %barrier3A = arith.constant 0 : index
    tpu.barrier barrier_id(%barrier3A)
    %iota3A = tpu.iota {dimensions = array<i32: 0>} : vector<16xi32>
    %dma_start3A_45 = arith.constant 0 : i32
    %dma_start3A_46 = arith.constant 0 : i32
    %dma_start3A_47 = arith.constant 0 : i32
    %dma_start3A_48 = tpu.memref_slice %arg8[%dma_start3A_45, %dma_start3A_46, %dma_start3A_47] : memref<81x2x128xi32, #tpu.memory_space<vmem>> -> memref<1x1x128xi32, #tpu.memory_space<vmem>>
    %dma_start3A_49 = tpu.memref_squeeze %dma_start3A_48 : memref<1x1x128xi32, #tpu.memory_space<vmem>> -> memref<128xi32, #tpu.memory_space<vmem>>
    %dma_start3A_50 = arith.constant 0 : i32
    %dma_start3A_51 = arith.constant 0 : i32
    %dma_start3A_52 = tpu.memref_slice %arg3[%dma_start3A_50, %dma_start3A_51] : memref<10240x64xf32, #tpu.memory_space<hbm>> -> memref<10240x64xf32, #tpu.memory_space<hbm>>
    tpu.enqueue_indirect_dma source(%dma_start3A_52 : memref<10240x64xf32, #tpu.memory_space<hbm>>) target(%arg9 : memref<128x64xf32, #tpu.memory_space<vmem>>) offsets(%dma_start3A_49 : memref<128xi32, #tpu.memory_space<vmem>>) semaphore(%arg20 : memref<!tpu.dma_semaphore, #tpu.memory_space<semaphore_mem>>)
    %dma_start3A_53 = arith.constant 0 : i32
    %dma_start3A_54 = arith.constant 0 : i32
    %dma_start3A_55 = arith.constant 0 : i32
    %dma_start3A_56 = tpu.memref_slice %arg8[%dma_start3A_53, %dma_start3A_54, %dma_start3A_55] : memref<81x2x128xi32, #tpu.memory_space<vmem>> -> memref<1x1x128xi32, #tpu.memory_space<vmem>>
    %dma_start3A_57 = tpu.memref_squeeze %dma_start3A_56 : memref<1x1x128xi32, #tpu.memory_space<vmem>> -> memref<128xi32, #tpu.memory_space<vmem>>
    %dma_start3A_58 = arith.constant 0 : i32
    %dma_start3A_59 = tpu.memref_slice %arg4[%dma_start3A_58] : memref<10240xf32, #tpu.memory_space<hbm>> -> memref<10240xf32, #tpu.memory_space<hbm>>
    tpu.enqueue_indirect_dma source(%dma_start3A_59 : memref<10240xf32, #tpu.memory_space<hbm>>) target(%arg11 : memref<128xf32, #tpu.memory_space<vmem>>) offsets(%dma_start3A_57 : memref<128xi32, #tpu.memory_space<vmem>>) semaphore(%arg20 : memref<!tpu.dma_semaphore, #tpu.memory_space<semaphore_mem>>)
    %dma_start3A_60 = arith.constant 0 : i32
    %dma_start3A_61 = arith.constant 1 : i32
    %dma_start3A_62 = arith.constant 0 : i32
    %dma_start3A_63 = tpu.memref_slice %arg8[%dma_start3A_60, %dma_start3A_61, %dma_start3A_62] : memref<81x2x128xi32, #tpu.memory_space<vmem>> -> memref<1x1x128xi32, #tpu.memory_space<vmem>>
    %dma_start3A_64 = tpu.memref_squeeze %dma_start3A_63 : memref<1x1x128xi32, #tpu.memory_space<vmem>> -> memref<128xi32, #tpu.memory_space<vmem>>
    %dma_start3A_65 = arith.constant 0 : i32
    %dma_start3A_66 = tpu.memref_slice %arg5[%dma_start3A_65] : memref<10240xf32, #tpu.memory_space<hbm>> -> memref<10240xf32, #tpu.memory_space<hbm>>
    tpu.enqueue_indirect_dma source(%dma_start3A_66 : memref<10240xf32, #tpu.memory_space<hbm>>) target(%arg13 : memref<128xf32, #tpu.memory_space<vmem>>) offsets(%dma_start3A_64 : memref<128xi32, #tpu.memory_space<vmem>>) semaphore(%arg20 : memref<!tpu.dma_semaphore, #tpu.memory_space<semaphore_mem>>)
    %scan3A_67 = arith.constant 0 : i32
    %scan3A_68 = arith.constant 0 : i32
    %scan3A_69 = arith.constant 40 : i32
    %scan3A_70 = arith.addi %scan3A_68, %scan3A_69 : i32
    %scan3A_71 = arith.constant 1 : i32
    scf.for %scan3A_291 = %scan3A_68 to %scan3A_70 step %scan3A_71  : i32 {
      %mul3A_292 = arith.constant 2 : i32
      %mul3A_293 = arith.muli %mul3A_292, %scan3A_291 : i32
      %add3A_294 = arith.constant 1 : i32
      %add3A_295 = arith.addi %mul3A_293, %add3A_294 : i32
      %dma_start3A_296 = arith.constant 0 : i32
      %dma_start3A_297 = arith.constant 0 : i32
      %dma_start3A_298 = tpu.memref_slice %arg8[%add3A_295, %dma_start3A_296, %dma_start3A_297] : memref<81x2x128xi32, #tpu.memory_space<vmem>> -> memref<1x1x128xi32, #tpu.memory_space<vmem>>
      %dma_start3A_299 = tpu.memref_squeeze %dma_start3A_298 : memref<1x1x128xi32, #tpu.memory_space<vmem>> -> memref<128xi32, #tpu.memory_space<vmem>>
      %dma_start3A_300 = arith.constant 0 : i32
      %dma_start3A_301 = arith.constant 0 : i32
      %dma_start3A_302 = tpu.memref_slice %arg3[%dma_start3A_300, %dma_start3A_301] : memref<10240x64xf32, #tpu.memory_space<hbm>> -> memref<10240x64xf32, #tpu.memory_space<hbm>>
      tpu.enqueue_indirect_dma source(%dma_start3A_302 : memref<10240x64xf32, #tpu.memory_space<hbm>>) target(%arg10 : memref<128x64xf32, #tpu.memory_space<vmem>>) offsets(%dma_start3A_299 : memref<128xi32, #tpu.memory_space<vmem>>) semaphore(%arg21 : memref<!tpu.dma_semaphore, #tpu.memory_space<semaphore_mem>>)
      %dma_start3A_303 = arith.constant 0 : i32
      %dma_start3A_304 = arith.constant 0 : i32
      %dma_start3A_305 = tpu.memref_slice %arg8[%add3A_295, %dma_start3A_303, %dma_start3A_304] : memref<81x2x128xi32, #tpu.memory_space<vmem>> -> memref<1x1x128xi32, #tpu.memory_space<vmem>>
      %dma_start3A_306 = tpu.memref_squeeze %dma_start3A_305 : memref<1x1x128xi32, #tpu.memory_space<vmem>> -> memref<128xi32, #tpu.memory_space<vmem>>
      %dma_start3A_307 = arith.constant 0 : i32
      %dma_start3A_308 = tpu.memref_slice %arg4[%dma_start3A_307] : memref<10240xf32, #tpu.memory_space<hbm>> -> memref<10240xf32, #tpu.memory_space<hbm>>
      tpu.enqueue_indirect_dma source(%dma_start3A_308 : memref<10240xf32, #tpu.memory_space<hbm>>) target(%arg12 : memref<128xf32, #tpu.memory_space<vmem>>) offsets(%dma_start3A_306 : memref<128xi32, #tpu.memory_space<vmem>>) semaphore(%arg21 : memref<!tpu.dma_semaphore, #tpu.memory_space<semaphore_mem>>)
      %dma_start3A_309 = arith.constant 1 : i32
      %dma_start3A_310 = arith.constant 0 : i32
      %dma_start3A_311 = tpu.memref_slice %arg8[%add3A_295, %dma_start3A_309, %dma_start3A_310] : memref<81x2x128xi32, #tpu.memory_space<vmem>> -> memref<1x1x128xi32, #tpu.memory_space<vmem>>
      %dma_start3A_312 = tpu.memref_squeeze %dma_start3A_311 : memref<1x1x128xi32, #tpu.memory_space<vmem>> -> memref<128xi32, #tpu.memory_space<vmem>>
      %dma_start3A_313 = arith.constant 0 : i32
      %dma_start3A_314 = tpu.memref_slice %arg5[%dma_start3A_313] : memref<10240xf32, #tpu.memory_space<hbm>> -> memref<10240xf32, #tpu.memory_space<hbm>>
      tpu.enqueue_indirect_dma source(%dma_start3A_314 : memref<10240xf32, #tpu.memory_space<hbm>>) target(%arg14 : memref<128xf32, #tpu.memory_space<vmem>>) offsets(%dma_start3A_312 : memref<128xi32, #tpu.memory_space<vmem>>) semaphore(%arg21 : memref<!tpu.dma_semaphore, #tpu.memory_space<semaphore_mem>>)
      %dma_wait3A_315 = arith.constant 0 : i32
      %dma_wait3A_316 = arith.constant 0 : i32
      %dma_wait3A_317 = arith.constant 0 : i32
      %dma_wait3A_318 = tpu.memref_slice %arg8[%dma_wait3A_315, %dma_wait3A_316, %dma_wait3A_317] : memref<81x2x128xi32, #tpu.memory_space<vmem>> -> memref<1x1x128xi32, #tpu.memory_space<vmem>>
      %dma_wait3A_319 = tpu.memref_squeeze %dma_wait3A_318 : memref<1x1x128xi32, #tpu.memory_space<vmem>> -> memref<128xi32, #tpu.memory_space<vmem>>
      %dma_wait3A_320 = arith.constant 0 : i32
      %dma_wait3A_321 = arith.constant 0 : i32
      %dma_wait3A_322 = tpu.memref_slice %arg3[%dma_wait3A_320, %dma_wait3A_321] : memref<10240x64xf32, #tpu.memory_space<hbm>> -> memref<10240x64xf32, #tpu.memory_space<hbm>>
      tpu.wait_indirect_dma semaphore(%arg20 : memref<!tpu.dma_semaphore, #tpu.memory_space<semaphore_mem>>) src(%dma_wait3A_322 : memref<10240x64xf32, #tpu.memory_space<hbm>>) dst(%arg9 : memref<128x64xf32, #tpu.memory_space<vmem>>)
      %dma_wait3A_323 = arith.constant 0 : i32
      %dma_wait3A_324 = arith.constant 0 : i32
      %dma_wait3A_325 = arith.constant 0 : i32
      %dma_wait3A_326 = tpu.memref_slice %arg8[%dma_wait3A_323, %dma_wait3A_324, %dma_wait3A_325] : memref<81x2x128xi32, #tpu.memory_space<vmem>> -> memref<1x1x128xi32, #tpu.memory_space<vmem>>
      %dma_wait3A_327 = tpu.memref_squeeze %dma_wait3A_326 : memref<1x1x128xi32, #tpu.memory_space<vmem>> -> memref<128xi32, #tpu.memory_space<vmem>>
      %dma_wait3A_328 = arith.constant 0 : i32
      %dma_wait3A_329 = tpu.memref_slice %arg4[%dma_wait3A_328] : memref<10240xf32, #tpu.memory_space<hbm>> -> memref<10240xf32, #tpu.memory_space<hbm>>
      tpu.wait_indirect_dma semaphore(%arg20 : memref<!tpu.dma_semaphore, #tpu.memory_space<semaphore_mem>>) src(%dma_wait3A_329 : memref<10240xf32, #tpu.memory_space<hbm>>) dst(%arg11 : memref<128xf32, #tpu.memory_space<vmem>>)
      %dma_wait3A_330 = arith.constant 0 : i32
      %dma_wait3A_331 = arith.constant 1 : i32
      %dma_wait3A_332 = arith.constant 0 : i32
      %dma_wait3A_333 = tpu.memref_slice %arg8[%dma_wait3A_330, %dma_wait3A_331, %dma_wait3A_332] : memref<81x2x128xi32, #tpu.memory_space<vmem>> -> memref<1x1x128xi32, #tpu.memory_space<vmem>>
      %dma_wait3A_334 = tpu.memref_squeeze %dma_wait3A_333 : memref<1x1x128xi32, #tpu.memory_space<vmem>> -> memref<128xi32, #tpu.memory_space<vmem>>
      %dma_wait3A_335 = arith.constant 0 : i32
      %dma_wait3A_336 = tpu.memref_slice %arg5[%dma_wait3A_335] : memref<10240xf32, #tpu.memory_space<hbm>> -> memref<10240xf32, #tpu.memory_space<hbm>>
      tpu.wait_indirect_dma semaphore(%arg20 : memref<!tpu.dma_semaphore, #tpu.memory_space<semaphore_mem>>) src(%dma_wait3A_336 : memref<10240xf32, #tpu.memory_space<hbm>>) dst(%arg13 : memref<128xf32, #tpu.memory_space<vmem>>)
      %gt3A = arith.constant 0 : i32
      %gt3A_337 = arith.cmpi sgt, %scan3A_291, %gt3A : i32
      %convert_element_type3A = arith.extui %gt3A_337 : i1 to i32
      %cond3A = arith.constant 0 : i32
      %cond3A_338 = arith.cmpi ne, %convert_element_type3A, %cond3A : i32
      scf.if %cond3A_338 {
        %dma_wait3A_735 = arith.constant 0 : i32
        %dma_wait3A_736 = arith.constant 1 : i32
        %dma_wait3A_737 = arith.constant 0 : i32
        %dma_wait3A_738 = tpu.memref_slice %arg8[%dma_wait3A_735, %dma_wait3A_736, %dma_wait3A_737] : memref<81x2x128xi32, #tpu.memory_space<vmem>> -> memref<1x1x128xi32, #tpu.memory_space<vmem>>
        %dma_wait3A_739 = tpu.memref_squeeze %dma_wait3A_738 : memref<1x1x128xi32, #tpu.memory_space<vmem>> -> memref<128xi32, #tpu.memory_space<vmem>>
        %dma_wait3A_740 = arith.constant 0 : i32
        %dma_wait3A_741 = arith.constant 0 : i32
        %dma_wait3A_742 = tpu.memref_slice %arg19[%dma_wait3A_740, %dma_wait3A_741] : memref<10240x80xf32, #tpu.memory_space<vmem_shared>> -> memref<10240x80xf32, #tpu.memory_space<vmem_shared>>
        tpu.wait_indirect_dma semaphore(%arg22 : memref<!tpu.dma_semaphore, #tpu.memory_space<semaphore_mem>>) src(%arg16 : memref<128x80xf32, #tpu.memory_space<vmem>>) dst(%dma_wait3A_742 : memref<10240x80xf32, #tpu.memory_space<vmem_shared>>)
      } else {
      }
      %get3A_339 = arith.constant 0 : index
      %get3A_340 = tpu.vector_load %arg18[%get3A_339] {strides = array<i32>} : memref<16xf32, #tpu.memory_space<vmem>>, vector<16xf32>,
      %get3A_341 = vector.shape_cast %get3A_340 : vector<16xf32> to vector<16xf32>
      %get3A_342 = arith.constant 0 : index
      %get3A_343 = tpu.vector_load %arg11[%get3A_342] {strides = array<i32>} : memref<128xf32, #tpu.memory_space<vmem>>, vector<16xf32>,
      %get3A_344 = vector.shape_cast %get3A_343 : vector<16xf32> to vector<16xf32>
      %get3A_345 = arith.constant 0 : index
      %get3A_346 = tpu.vector_load %arg13[%get3A_345] {strides = array<i32>} : memref<128xf32, #tpu.memory_space<vmem>>, vector<16xf32>,
      %get3A_347 = vector.shape_cast %get3A_346 : vector<16xf32> to vector<16xf32>
      %add3A_348 = arith.addf %get3A_344, %get3A_347 : vector<16xf32>
      %ge3A_349 = arith.constant 0.000000e+00 : f32
      %ge3A_350 = vector.broadcast %ge3A_349 : f32 to vector<16xf32>
      %ge3A_351 = arith.cmpf oge, %add3A_348, %ge3A_350 : vector<16xf32>
      %mul3A_352 = arith.constant 2.000000e-01 : f32
      %mul3A_353 = vector.broadcast %mul3A_352 : f32 to vector<16xf32>
      %mul3A_354 = arith.mulf %mul3A_353, %add3A_348 : vector<16xf32>
      %select_n3A_355 = arith.select %ge3A_351, %add3A_348, %mul3A_354 : vector<16xi1>, vector<16xf32>
      %sub3A_356 = arith.subf %select_n3A_355, %get3A_341 : vector<16xf32>
      %exp3A_357 = math.exp %sub3A_356 : vector<16xf32>
      %swap3A_358 = arith.constant 0 : index
      %swap3A_359 = tpu.vector_load %arg15[%swap3A_358] {strides = array<i32>} : memref<128xf32, #tpu.memory_space<vmem>>, vector<16xf32>,
      %swap3A_360 = vector.shape_cast %swap3A_359 : vector<16xf32> to vector<16xf32>
      %swap3A_361 = vector.shape_cast %exp3A_357 : vector<16xf32> to vector<16xf32>
      tpu.vector_store %arg15[%swap3A_358], %swap3A_361 {strides = array<i32>} : memref<128xf32, #tpu.memory_space<vmem>>, vector<16xf32>,
      %get3A_362 = arith.constant 16 : index
      %get3A_363 = tpu.vector_load %arg11[%get3A_362] {strides = array<i32>} : memref<128xf32, #tpu.memory_space<vmem>>, vector<16xf32>,
      %get3A_364 = vector.shape_cast %get3A_363 : vector<16xf32> to vector<16xf32>
      %get3A_365 = arith.constant 16 : index
      %get3A_366 = tpu.vector_load %arg13[%get3A_365] {strides = array<i32>} : memref<128xf32, #tpu.memory_space<vmem>>, vector<16xf32>,
      %get3A_367 = vector.shape_cast %get3A_366 : vector<16xf32> to vector<16xf32>
      %add3A_368 = arith.addf %get3A_364, %get3A_367 : vector<16xf32>
      %ge3A_369 = arith.constant 0.000000e+00 : f32
      %ge3A_370 = vector.broadcast %ge3A_369 : f32 to vector<16xf32>
      %ge3A_371 = arith.cmpf oge, %add3A_368, %ge3A_370 : vector<16xf32>
      %mul3A_372 = arith.constant 2.000000e-01 : f32
      %mul3A_373 = vector.broadcast %mul3A_372 : f32 to vector<16xf32>
      %mul3A_374 = arith.mulf %mul3A_373, %add3A_368 : vector<16xf32>
      %select_n3A_375 = arith.select %ge3A_371, %add3A_368, %mul3A_374 : vector<16xi1>, vector<16xf32>
      %sub3A_376 = arith.subf %select_n3A_375, %get3A_341 : vector<16xf32>
      %exp3A_377 = math.exp %sub3A_376 : vector<16xf32>
      %swap3A_378 = arith.constant 16 : index
      %swap3A_379 = tpu.vector_load %arg15[%swap3A_378] {strides = array<i32>} : memref<128xf32, #tpu.memory_space<vmem>>, vector<16xf32>,
      %swap3A_380 = vector.shape_cast %swap3A_379 : vector<16xf32> to vector<16xf32>
      %swap3A_381 = vector.shape_cast %exp3A_377 : vector<16xf32> to vector<16xf32>
      tpu.vector_store %arg15[%swap3A_378], %swap3A_381 {strides = array<i32>} : memref<128xf32, #tpu.memory_space<vmem>>, vector<16xf32>,
      %get3A_382 = arith.constant 32 : index
      %get3A_383 = tpu.vector_load %arg11[%get3A_382] {strides = array<i32>} : memref<128xf32, #tpu.memory_space<vmem>>, vector<16xf32>,
      %get3A_384 = vector.shape_cast %get3A_383 : vector<16xf32> to vector<16xf32>
      %get3A_385 = arith.constant 32 : index
      %get3A_386 = tpu.vector_load %arg13[%get3A_385] {strides = array<i32>} : memref<128xf32, #tpu.memory_space<vmem>>, vector<16xf32>,
      %get3A_387 = vector.shape_cast %get3A_386 : vector<16xf32> to vector<16xf32>
      %add3A_388 = arith.addf %get3A_384, %get3A_387 : vector<16xf32>
      %ge3A_389 = arith.constant 0.000000e+00 : f32
      %ge3A_390 = vector.broadcast %ge3A_389 : f32 to vector<16xf32>
      %ge3A_391 = arith.cmpf oge, %add3A_388, %ge3A_390 : vector<16xf32>
      %mul3A_392 = arith.constant 2.000000e-01 : f32
      %mul3A_393 = vector.broadcast %mul3A_392 : f32 to vector<16xf32>
      %mul3A_394 = arith.mulf %mul3A_393, %add3A_388 : vector<16xf32>
      %select_n3A_395 = arith.select %ge3A_391, %add3A_388, %mul3A_394 : vector<16xi1>, vector<16xf32>
      %sub3A_396 = arith.subf %select_n3A_395, %get3A_341 : vector<16xf32>
      %exp3A_397 = math.exp %sub3A_396 : vector<16xf32>
      %swap3A_398 = arith.constant 32 : index
      %swap3A_399 = tpu.vector_load %arg15[%swap3A_398] {strides = array<i32>} : memref<128xf32, #tpu.memory_space<vmem>>, vector<16xf32>,
      %swap3A_400 = vector.shape_cast %swap3A_399 : vector<16xf32> to vector<16xf32>
      %swap3A_401 = vector.shape_cast %exp3A_397 : vector<16xf32> to vector<16xf32>
      tpu.vector_store %arg15[%swap3A_398], %swap3A_401 {strides = array<i32>} : memref<128xf32, #tpu.memory_space<vmem>>, vector<16xf32>,
      %get3A_402 = arith.constant 48 : index
      %get3A_403 = tpu.vector_load %arg11[%get3A_402] {strides = array<i32>} : memref<128xf32, #tpu.memory_space<vmem>>, vector<16xf32>,
      %get3A_404 = vector.shape_cast %get3A_403 : vector<16xf32> to vector<16xf32>
      %get3A_405 = arith.constant 48 : index
      %get3A_406 = tpu.vector_load %arg13[%get3A_405] {strides = array<i32>} : memref<128xf32, #tpu.memory_space<vmem>>, vector<16xf32>,
      %get3A_407 = vector.shape_cast %get3A_406 : vector<16xf32> to vector<16xf32>
      %add3A_408 = arith.addf %get3A_404, %get3A_407 : vector<16xf32>
      %ge3A_409 = arith.constant 0.000000e+00 : f32
      %ge3A_410 = vector.broadcast %ge3A_409 : f32 to vector<16xf32>
      %ge3A_411 = arith.cmpf oge, %add3A_408, %ge3A_410 : vector<16xf32>
      %mul3A_412 = arith.constant 2.000000e-01 : f32
      %mul3A_413 = vector.broadcast %mul3A_412 : f32 to vector<16xf32>
      %mul3A_414 = arith.mulf %mul3A_413, %add3A_408 : vector<16xf32>
      %select_n3A_415 = arith.select %ge3A_411, %add3A_408, %mul3A_414 : vector<16xi1>, vector<16xf32>
      %sub3A_416 = arith.subf %select_n3A_415, %get3A_341 : vector<16xf32>
      %exp3A_417 = math.exp %sub3A_416 : vector<16xf32>
      %swap3A_418 = arith.constant 48 : index
      %swap3A_419 = tpu.vector_load %arg15[%swap3A_418] {strides = array<i32>} : memref<128xf32, #tpu.memory_space<vmem>>, vector<16xf32>,
      %swap3A_420 = vector.shape_cast %swap3A_419 : vector<16xf32> to vector<16xf32>
      %swap3A_421 = vector.shape_cast %exp3A_417 : vector<16xf32> to vector<16xf32>
      tpu.vector_store %arg15[%swap3A_418], %swap3A_421 {strides = array<i32>} : memref<128xf32, #tpu.memory_space<vmem>>, vector<16xf32>,
      %get3A_422 = arith.constant 64 : index
      %get3A_423 = tpu.vector_load %arg11[%get3A_422] {strides = array<i32>} : memref<128xf32, #tpu.memory_space<vmem>>, vector<16xf32>,
      %get3A_424 = vector.shape_cast %get3A_423 : vector<16xf32> to vector<16xf32>
      %get3A_425 = arith.constant 64 : index
      %get3A_426 = tpu.vector_load %arg13[%get3A_425] {strides = array<i32>} : memref<128xf32, #tpu.memory_space<vmem>>, vector<16xf32>,
      %get3A_427 = vector.shape_cast %get3A_426 : vector<16xf32> to vector<16xf32>
      %add3A_428 = arith.addf %get3A_424, %get3A_427 : vector<16xf32>
      %ge3A_429 = arith.constant 0.000000e+00 : f32
      %ge3A_430 = vector.broadcast %ge3A_429 : f32 to vector<16xf32>
      %ge3A_431 = arith.cmpf oge, %add3A_428, %ge3A_430 : vector<16xf32>
      %mul3A_432 = arith.constant 2.000000e-01 : f32
      %mul3A_433 = vector.broadcast %mul3A_432 : f32 to vector<16xf32>
      %mul3A_434 = arith.mulf %mul3A_433, %add3A_428 : vector<16xf32>
      %select_n3A_435 = arith.select %ge3A_431, %add3A_428, %mul3A_434 : vector<16xi1>, vector<16xf32>
      %sub3A_436 = arith.subf %select_n3A_435, %get3A_341 : vector<16xf32>
      %exp3A_437 = math.exp %sub3A_436 : vector<16xf32>
      %swap3A_438 = arith.constant 64 : index
      %swap3A_439 = tpu.vector_load %arg15[%swap3A_438] {strides = array<i32>} : memref<128xf32, #tpu.memory_space<vmem>>, vector<16xf32>,
      %swap3A_440 = vector.shape_cast %swap3A_439 : vector<16xf32> to vector<16xf32>
      %swap3A_441 = vector.shape_cast %exp3A_437 : vector<16xf32> to vector<16xf32>
      tpu.vector_store %arg15[%swap3A_438], %swap3A_441 {strides = array<i32>} : memref<128xf32, #tpu.memory_space<vmem>>, vector<16xf32>,
      %get3A_442 = arith.constant 80 : index
      %get3A_443 = tpu.vector_load %arg11[%get3A_442] {strides = array<i32>} : memref<128xf32, #tpu.memory_space<vmem>>, vector<16xf32>,
      %get3A_444 = vector.shape_cast %get3A_443 : vector<16xf32> to vector<16xf32>
      %get3A_445 = arith.constant 80 : index
      %get3A_446 = tpu.vector_load %arg13[%get3A_445] {strides = array<i32>} : memref<128xf32, #tpu.memory_space<vmem>>, vector<16xf32>,
      %get3A_447 = vector.shape_cast %get3A_446 : vector<16xf32> to vector<16xf32>
      %add3A_448 = arith.addf %get3A_444, %get3A_447 : vector<16xf32>
      %ge3A_449 = arith.constant 0.000000e+00 : f32
      %ge3A_450 = vector.broadcast %ge3A_449 : f32 to vector<16xf32>
      %ge3A_451 = arith.cmpf oge, %add3A_448, %ge3A_450 : vector<16xf32>
      %mul3A_452 = arith.constant 2.000000e-01 : f32
      %mul3A_453 = vector.broadcast %mul3A_452 : f32 to vector<16xf32>
      %mul3A_454 = arith.mulf %mul3A_453, %add3A_448 : vector<16xf32>
      %select_n3A_455 = arith.select %ge3A_451, %add3A_448, %mul3A_454 : vector<16xi1>, vector<16xf32>
      %sub3A_456 = arith.subf %select_n3A_455, %get3A_341 : vector<16xf32>
      %exp3A_457 = math.exp %sub3A_456 : vector<16xf32>
      %swap3A_458 = arith.constant 80 : index
      %swap3A_459 = tpu.vector_load %arg15[%swap3A_458] {strides = array<i32>} : memref<128xf32, #tpu.memory_space<vmem>>, vector<16xf32>,
      %swap3A_460 = vector.shape_cast %swap3A_459 : vector<16xf32> to vector<16xf32>
      %swap3A_461 = vector.shape_cast %exp3A_457 : vector<16xf32> to vector<16xf32>
      tpu.vector_store %arg15[%swap3A_458], %swap3A_461 {strides = array<i32>} : memref<128xf32, #tpu.memory_space<vmem>>, vector<16xf32>,
      %get3A_462 = arith.constant 96 : index
      %get3A_463 = tpu.vector_load %arg11[%get3A_462] {strides = array<i32>} : memref<128xf32, #tpu.memory_space<vmem>>, vector<16xf32>,
      %get3A_464 = vector.shape_cast %get3A_463 : vector<16xf32> to vector<16xf32>
      %get3A_465 = arith.constant 96 : index
      %get3A_466 = tpu.vector_load %arg13[%get3A_465] {strides = array<i32>} : memref<128xf32, #tpu.memory_space<vmem>>, vector<16xf32>,
      %get3A_467 = vector.shape_cast %get3A_466 : vector<16xf32> to vector<16xf32>
      %add3A_468 = arith.addf %get3A_464, %get3A_467 : vector<16xf32>
      %ge3A_469 = arith.constant 0.000000e+00 : f32
      %ge3A_470 = vector.broadcast %ge3A_469 : f32 to vector<16xf32>
      %ge3A_471 = arith.cmpf oge, %add3A_468, %ge3A_470 : vector<16xf32>
      %mul3A_472 = arith.constant 2.000000e-01 : f32
      %mul3A_473 = vector.broadcast %mul3A_472 : f32 to vector<16xf32>
      %mul3A_474 = arith.mulf %mul3A_473, %add3A_468 : vector<16xf32>
      %select_n3A_475 = arith.select %ge3A_471, %add3A_468, %mul3A_474 : vector<16xi1>, vector<16xf32>
      %sub3A_476 = arith.subf %select_n3A_475, %get3A_341 : vector<16xf32>
      %exp3A_477 = math.exp %sub3A_476 : vector<16xf32>
      %swap3A_478 = arith.constant 96 : index
      %swap3A_479 = tpu.vector_load %arg15[%swap3A_478] {strides = array<i32>} : memref<128xf32, #tpu.memory_space<vmem>>, vector<16xf32>,
      %swap3A_480 = vector.shape_cast %swap3A_479 : vector<16xf32> to vector<16xf32>
      %swap3A_481 = vector.shape_cast %exp3A_477 : vector<16xf32> to vector<16xf32>
      tpu.vector_store %arg15[%swap3A_478], %swap3A_481 {strides = array<i32>} : memref<128xf32, #tpu.memory_space<vmem>>, vector<16xf32>,
      %get3A_482 = arith.constant 112 : index
      %get3A_483 = tpu.vector_load %arg11[%get3A_482] {strides = array<i32>} : memref<128xf32, #tpu.memory_space<vmem>>, vector<16xf32>,
      %get3A_484 = vector.shape_cast %get3A_483 : vector<16xf32> to vector<16xf32>
      %get3A_485 = arith.constant 112 : index
      %get3A_486 = tpu.vector_load %arg13[%get3A_485] {strides = array<i32>} : memref<128xf32, #tpu.memory_space<vmem>>, vector<16xf32>,
      %get3A_487 = vector.shape_cast %get3A_486 : vector<16xf32> to vector<16xf32>
      %add3A_488 = arith.addf %get3A_484, %get3A_487 : vector<16xf32>
      %ge3A_489 = arith.constant 0.000000e+00 : f32
      %ge3A_490 = vector.broadcast %ge3A_489 : f32 to vector<16xf32>
      %ge3A_491 = arith.cmpf oge, %add3A_488, %ge3A_490 : vector<16xf32>
      %mul3A_492 = arith.constant 2.000000e-01 : f32
      %mul3A_493 = vector.broadcast %mul3A_492 : f32 to vector<16xf32>
      %mul3A_494 = arith.mulf %mul3A_493, %add3A_488 : vector<16xf32>
      %select_n3A_495 = arith.select %ge3A_491, %add3A_488, %mul3A_494 : vector<16xi1>, vector<16xf32>
      %sub3A_496 = arith.subf %select_n3A_495, %get3A_341 : vector<16xf32>
      %exp3A_497 = math.exp %sub3A_496 : vector<16xf32>
      %swap3A_498 = arith.constant 112 : index
      %swap3A_499 = tpu.vector_load %arg15[%swap3A_498] {strides = array<i32>} : memref<128xf32, #tpu.memory_space<vmem>>, vector<16xf32>,
      %swap3A_500 = vector.shape_cast %swap3A_499 : vector<16xf32> to vector<16xf32>
      %swap3A_501 = vector.shape_cast %exp3A_497 : vector<16xf32> to vector<16xf32>
      tpu.vector_store %arg15[%swap3A_498], %swap3A_501 {strides = array<i32>} : memref<128xf32, #tpu.memory_space<vmem>>, vector<16xf32>,
      %parallel_loop3A_502 = arith.constant 0 : i32
      %parallel_loop3A_503 = arith.constant 128 : i32
      %parallel_loop3A_504 = arith.constant 1 : i32
      scf.for %parallel_loop3A_735 = %parallel_loop3A_502 to %parallel_loop3A_503 step %parallel_loop3A_504  : i32 {
        %parallel_loop3A_736 = arith.constant 16 : i32
        %parallel_loop3A_737 = arith.divsi %parallel_loop3A_735, %parallel_loop3A_736 : i32
        %parallel_loop3A_738 = arith.constant 0 : i32
        %parallel_loop3A_739 = arith.cmpi sgt, %parallel_loop3A_735, %parallel_loop3A_738 : i32
        %parallel_loop3A_740 = arith.extui %parallel_loop3A_739 : i1 to i32
        %parallel_loop3A_741 = arith.constant 0 : i32
        %parallel_loop3A_742 = arith.cmpi slt, %parallel_loop3A_735, %parallel_loop3A_741 : i32
        %parallel_loop3A_743 = arith.extui %parallel_loop3A_742 : i1 to i32
        %parallel_loop3A_744 = arith.subi %parallel_loop3A_740, %parallel_loop3A_743 : i32
        %parallel_loop3A_745 = arith.constant 0 : i32
        %parallel_loop3A_746 = arith.cmpi sgt, %parallel_loop3A_736, %parallel_loop3A_745 : i32
        %parallel_loop3A_747 = arith.extui %parallel_loop3A_746 : i1 to i32
        %parallel_loop3A_748 = arith.constant 0 : i32
        %parallel_loop3A_749 = arith.cmpi slt, %parallel_loop3A_736, %parallel_loop3A_748 : i32
        %parallel_loop3A_750 = arith.extui %parallel_loop3A_749 : i1 to i32
        %parallel_loop3A_751 = arith.subi %parallel_loop3A_747, %parallel_loop3A_750 : i32
        %parallel_loop3A_752 = arith.cmpi ne, %parallel_loop3A_744, %parallel_loop3A_751 : i32
        %parallel_loop3A_753 = arith.remsi %parallel_loop3A_735, %parallel_loop3A_736 : i32
        %parallel_loop3A_754 = arith.constant 0 : i32
        %parallel_loop3A_755 = arith.cmpi ne, %parallel_loop3A_753, %parallel_loop3A_754 : i32
        %parallel_loop3A_756 = arith.andi %parallel_loop3A_752, %parallel_loop3A_755 : i1
        %parallel_loop3A_757 = arith.constant 1 : i32
        %parallel_loop3A_758 = arith.subi %parallel_loop3A_737, %parallel_loop3A_757 : i32
        %parallel_loop3A_759 = arith.select %parallel_loop3A_756, %parallel_loop3A_758, %parallel_loop3A_737 : i32
        %parallel_loop3A_760 = arith.constant 16 : i32
        %parallel_loop3A_761 = arith.muli %parallel_loop3A_759, %parallel_loop3A_760 : i32
        %parallel_loop3A_762 = arith.index_cast %parallel_loop3A_761 : i32 to index
        %parallel_loop3A_763 = tpu.vector_load %arg15[%parallel_loop3A_762] {strides = array<i32>} : memref<128xf32, #tpu.memory_space<vmem>>, vector<16xf32>,
        %parallel_loop3A_764 = vector.shape_cast %parallel_loop3A_763 : vector<16xf32> to vector<16xf32>
        %parallel_loop3A_765 = arith.subi %parallel_loop3A_735, %parallel_loop3A_761 : i32
        %parallel_loop3A_766 = vector.broadcast %parallel_loop3A_765 : i32 to vector<16xi32>
        %parallel_loop3A_767 = arith.constant 0 : i32
        %parallel_loop3A_768 = vector.broadcast %parallel_loop3A_767 : i32 to vector<16xi32>
        %parallel_loop3A_769 = arith.cmpi slt, %parallel_loop3A_766, %parallel_loop3A_768 : vector<16xi32>
        %parallel_loop3A_770 = arith.constant 16 : i32
        %parallel_loop3A_771 = vector.broadcast %parallel_loop3A_770 : i32 to vector<16xi32>
        %parallel_loop3A_772 = arith.addi %parallel_loop3A_766, %parallel_loop3A_771 : vector<16xi32>
        %parallel_loop3A_773 = arith.select %parallel_loop3A_769, %parallel_loop3A_772, %parallel_loop3A_766 : vector<16xi1>, vector<16xi32>
        %parallel_loop3A_774 = vector.shape_cast %parallel_loop3A_773 : vector<16xi32> to vector<16x1xi32>
        %parallel_loop3A_775 = vector.shape_cast %parallel_loop3A_774 : vector<16x1xi32> to vector<16xi32>
        %parallel_loop3A_776 = tpu.dynamic_gather %parallel_loop3A_764[%parallel_loop3A_775] in [0] : vector<16xf32>, vector<16xi32> -> vector<16xf32>
        %parallel_loop3A_777 = arith.index_cast %parallel_loop3A_735 : i32 to index
        %parallel_loop3A_778 = arith.constant 0 : index
        %parallel_loop3A_779 = tpu.vector_load %arg9[%parallel_loop3A_777, %parallel_loop3A_778] {strides = array<i32>} : memref<128x64xf32, #tpu.memory_space<vmem>>, vector<1x16xf32>,
        %parallel_loop3A_780 = vector.shape_cast %parallel_loop3A_779 : vector<1x16xf32> to vector<16xf32>
        %parallel_loop3A_781 = arith.mulf %parallel_loop3A_780, %parallel_loop3A_776 : vector<16xf32>
        %parallel_loop3A_782 = arith.index_cast %parallel_loop3A_735 : i32 to index
        %parallel_loop3A_783 = arith.constant 0 : index
        %parallel_loop3A_784 = tpu.vector_load %arg16[%parallel_loop3A_782, %parallel_loop3A_783] {strides = array<i32>} : memref<128x80xf32, #tpu.memory_space<vmem>>, vector<1x16xf32>,
        %parallel_loop3A_785 = vector.shape_cast %parallel_loop3A_784 : vector<1x16xf32> to vector<16xf32>
        %parallel_loop3A_786 = vector.shape_cast %parallel_loop3A_781 : vector<16xf32> to vector<1x16xf32>
        tpu.vector_store %arg16[%parallel_loop3A_782, %parallel_loop3A_783], %parallel_loop3A_786 {strides = array<i32>} : memref<128x80xf32, #tpu.memory_space<vmem>>, vector<1x16xf32>,
        %parallel_loop3A_787 = arith.index_cast %parallel_loop3A_735 : i32 to index
        %parallel_loop3A_788 = arith.constant 16 : index
        %parallel_loop3A_789 = tpu.vector_load %arg9[%parallel_loop3A_787, %parallel_loop3A_788] {strides = array<i32>} : memref<128x64xf32, #tpu.memory_space<vmem>>, vector<1x16xf32>,
        %parallel_loop3A_790 = vector.shape_cast %parallel_loop3A_789 : vector<1x16xf32> to vector<16xf32>
        %parallel_loop3A_791 = arith.mulf %parallel_loop3A_790, %parallel_loop3A_776 : vector<16xf32>
        %parallel_loop3A_792 = arith.index_cast %parallel_loop3A_735 : i32 to index
        %parallel_loop3A_793 = arith.constant 16 : index
        %parallel_loop3A_794 = tpu.vector_load %arg16[%parallel_loop3A_792, %parallel_loop3A_793] {strides = array<i32>} : memref<128x80xf32, #tpu.memory_space<vmem>>, vector<1x16xf32>,
        %parallel_loop3A_795 = vector.shape_cast %parallel_loop3A_794 : vector<1x16xf32> to vector<16xf32>
        %parallel_loop3A_796 = vector.shape_cast %parallel_loop3A_791 : vector<16xf32> to vector<1x16xf32>
        tpu.vector_store %arg16[%parallel_loop3A_792, %parallel_loop3A_793], %parallel_loop3A_796 {strides = array<i32>} : memref<128x80xf32, #tpu.memory_space<vmem>>, vector<1x16xf32>,
        %parallel_loop3A_797 = arith.index_cast %parallel_loop3A_735 : i32 to index
        %parallel_loop3A_798 = arith.constant 32 : index
        %parallel_loop3A_799 = tpu.vector_load %arg9[%parallel_loop3A_797, %parallel_loop3A_798] {strides = array<i32>} : memref<128x64xf32, #tpu.memory_space<vmem>>, vector<1x16xf32>,
        %parallel_loop3A_800 = vector.shape_cast %parallel_loop3A_799 : vector<1x16xf32> to vector<16xf32>
        %parallel_loop3A_801 = arith.mulf %parallel_loop3A_800, %parallel_loop3A_776 : vector<16xf32>
        %parallel_loop3A_802 = arith.index_cast %parallel_loop3A_735 : i32 to index
        %parallel_loop3A_803 = arith.constant 32 : index
        %parallel_loop3A_804 = tpu.vector_load %arg16[%parallel_loop3A_802, %parallel_loop3A_803] {strides = array<i32>} : memref<128x80xf32, #tpu.memory_space<vmem>>, vector<1x16xf32>,
        %parallel_loop3A_805 = vector.shape_cast %parallel_loop3A_804 : vector<1x16xf32> to vector<16xf32>
        %parallel_loop3A_806 = vector.shape_cast %parallel_loop3A_801 : vector<16xf32> to vector<1x16xf32>
        tpu.vector_store %arg16[%parallel_loop3A_802, %parallel_loop3A_803], %parallel_loop3A_806 {strides = array<i32>} : memref<128x80xf32, #tpu.memory_space<vmem>>, vector<1x16xf32>,
        %parallel_loop3A_807 = arith.index_cast %parallel_loop3A_735 : i32 to index
        %parallel_loop3A_808 = arith.constant 48 : index
        %parallel_loop3A_809 = tpu.vector_load %arg9[%parallel_loop3A_807, %parallel_loop3A_808] {strides = array<i32>} : memref<128x64xf32, #tpu.memory_space<vmem>>, vector<1x16xf32>,
        %parallel_loop3A_810 = vector.shape_cast %parallel_loop3A_809 : vector<1x16xf32> to vector<16xf32>
        %parallel_loop3A_811 = arith.mulf %parallel_loop3A_810, %parallel_loop3A_776 : vector<16xf32>
        %parallel_loop3A_812 = arith.index_cast %parallel_loop3A_735 : i32 to index
        %parallel_loop3A_813 = arith.constant 48 : index
        %parallel_loop3A_814 = tpu.vector_load %arg16[%parallel_loop3A_812, %parallel_loop3A_813] {strides = array<i32>} : memref<128x80xf32, #tpu.memory_space<vmem>>, vector<1x16xf32>,
        %parallel_loop3A_815 = vector.shape_cast %parallel_loop3A_814 : vector<1x16xf32> to vector<16xf32>
        %parallel_loop3A_816 = vector.shape_cast %parallel_loop3A_811 : vector<16xf32> to vector<1x16xf32>
        tpu.vector_store %arg16[%parallel_loop3A_812, %parallel_loop3A_813], %parallel_loop3A_816 {strides = array<i32>} : memref<128x80xf32, #tpu.memory_space<vmem>>, vector<1x16xf32>,
        %parallel_loop3A_817 = arith.constant 0 : i32
        %parallel_loop3A_818 = vector.broadcast %parallel_loop3A_817 : i32 to vector<16xi32>
        %parallel_loop3A_819 = arith.cmpi eq, %iota3A, %parallel_loop3A_818 : vector<16xi32>
        %parallel_loop3A_820 = arith.constant 0.000000e+00 : f32
        %parallel_loop3A_821 = vector.broadcast %parallel_loop3A_820 : f32 to vector<16xf32>
        %parallel_loop3A_822 = arith.select %parallel_loop3A_819, %parallel_loop3A_776, %parallel_loop3A_821 : vector<16xi1>, vector<16xf32>
        %parallel_loop3A_823 = arith.index_cast %parallel_loop3A_735 : i32 to index
        %parallel_loop3A_824 = arith.constant 64 : index
        %parallel_loop3A_825 = tpu.vector_load %arg16[%parallel_loop3A_823, %parallel_loop3A_824] {strides = array<i32>} : memref<128x80xf32, #tpu.memory_space<vmem>>, vector<1x16xf32>,
        %parallel_loop3A_826 = vector.shape_cast %parallel_loop3A_825 : vector<1x16xf32> to vector<16xf32>
        %parallel_loop3A_827 = vector.shape_cast %parallel_loop3A_822 : vector<16xf32> to vector<1x16xf32>
        tpu.vector_store %arg16[%parallel_loop3A_823, %parallel_loop3A_824], %parallel_loop3A_827 {strides = array<i32>} : memref<128x80xf32, #tpu.memory_space<vmem>>, vector<1x16xf32>,
      } {sc.loop_unroll_factor = 4 : i64, sc.parallel_access}
      %dma_start3A_505 = arith.constant 1 : i32
      %dma_start3A_506 = arith.constant 0 : i32
      %dma_start3A_507 = tpu.memref_slice %arg8[%mul3A_293, %dma_start3A_505, %dma_start3A_506] : memref<81x2x128xi32, #tpu.memory_space<vmem>> -> memref<1x1x128xi32, #tpu.memory_space<vmem>>
      %dma_start3A_508 = tpu.memref_squeeze %dma_start3A_507 : memref<1x1x128xi32, #tpu.memory_space<vmem>> -> memref<128xi32, #tpu.memory_space<vmem>>
      %dma_start3A_509 = arith.constant 0 : i32
      %dma_start3A_510 = arith.constant 0 : i32
      %dma_start3A_511 = tpu.memref_slice %arg19[%dma_start3A_509, %dma_start3A_510] : memref<10240x80xf32, #tpu.memory_space<vmem_shared>> -> memref<10240x80xf32, #tpu.memory_space<vmem_shared>>
      tpu.enqueue_indirect_dma source(%arg16 : memref<128x80xf32, #tpu.memory_space<vmem>>) target(%dma_start3A_511 : memref<10240x80xf32, #tpu.memory_space<vmem_shared>>) offsets(%dma_start3A_508 : memref<128xi32, #tpu.memory_space<vmem>>) semaphore(%arg22 : memref<!tpu.dma_semaphore, #tpu.memory_space<semaphore_mem>>) {add = true}
      %add3A_512 = arith.constant 2 : i32
      %add3A_513 = arith.addi %mul3A_293, %add3A_512 : i32
      %dma_start3A_514 = arith.constant 0 : i32
      %dma_start3A_515 = arith.constant 0 : i32
      %dma_start3A_516 = tpu.memref_slice %arg8[%add3A_513, %dma_start3A_514, %dma_start3A_515] : memref<81x2x128xi32, #tpu.memory_space<vmem>> -> memref<1x1x128xi32, #tpu.memory_space<vmem>>
      %dma_start3A_517 = tpu.memref_squeeze %dma_start3A_516 : memref<1x1x128xi32, #tpu.memory_space<vmem>> -> memref<128xi32, #tpu.memory_space<vmem>>
      %dma_start3A_518 = arith.constant 0 : i32
      %dma_start3A_519 = arith.constant 0 : i32
      %dma_start3A_520 = tpu.memref_slice %arg3[%dma_start3A_518, %dma_start3A_519] : memref<10240x64xf32, #tpu.memory_space<hbm>> -> memref<10240x64xf32, #tpu.memory_space<hbm>>
      tpu.enqueue_indirect_dma source(%dma_start3A_520 : memref<10240x64xf32, #tpu.memory_space<hbm>>) target(%arg9 : memref<128x64xf32, #tpu.memory_space<vmem>>) offsets(%dma_start3A_517 : memref<128xi32, #tpu.memory_space<vmem>>) semaphore(%arg20 : memref<!tpu.dma_semaphore, #tpu.memory_space<semaphore_mem>>)
      %dma_start3A_521 = arith.constant 0 : i32
      %dma_start3A_522 = arith.constant 0 : i32
      %dma_start3A_523 = tpu.memref_slice %arg8[%add3A_513, %dma_start3A_521, %dma_start3A_522] : memref<81x2x128xi32, #tpu.memory_space<vmem>> -> memref<1x1x128xi32, #tpu.memory_space<vmem>>
      %dma_start3A_524 = tpu.memref_squeeze %dma_start3A_523 : memref<1x1x128xi32, #tpu.memory_space<vmem>> -> memref<128xi32, #tpu.memory_space<vmem>>
      %dma_start3A_525 = arith.constant 0 : i32
      %dma_start3A_526 = tpu.memref_slice %arg4[%dma_start3A_525] : memref<10240xf32, #tpu.memory_space<hbm>> -> memref<10240xf32, #tpu.memory_space<hbm>>
      tpu.enqueue_indirect_dma source(%dma_start3A_526 : memref<10240xf32, #tpu.memory_space<hbm>>) target(%arg11 : memref<128xf32, #tpu.memory_space<vmem>>) offsets(%dma_start3A_524 : memref<128xi32, #tpu.memory_space<vmem>>) semaphore(%arg20 : memref<!tpu.dma_semaphore, #tpu.memory_space<semaphore_mem>>)
      %dma_start3A_527 = arith.constant 1 : i32
      %dma_start3A_528 = arith.constant 0 : i32
      %dma_start3A_529 = tpu.memref_slice %arg8[%add3A_513, %dma_start3A_527, %dma_start3A_528] : memref<81x2x128xi32, #tpu.memory_space<vmem>> -> memref<1x1x128xi32, #tpu.memory_space<vmem>>
      %dma_start3A_530 = tpu.memref_squeeze %dma_start3A_529 : memref<1x1x128xi32, #tpu.memory_space<vmem>> -> memref<128xi32, #tpu.memory_space<vmem>>
      %dma_start3A_531 = arith.constant 0 : i32
      %dma_start3A_532 = tpu.memref_slice %arg5[%dma_start3A_531] : memref<10240xf32, #tpu.memory_space<hbm>> -> memref<10240xf32, #tpu.memory_space<hbm>>
      tpu.enqueue_indirect_dma source(%dma_start3A_532 : memref<10240xf32, #tpu.memory_space<hbm>>) target(%arg13 : memref<128xf32, #tpu.memory_space<vmem>>) offsets(%dma_start3A_530 : memref<128xi32, #tpu.memory_space<vmem>>) semaphore(%arg20 : memref<!tpu.dma_semaphore, #tpu.memory_space<semaphore_mem>>)
      %dma_wait3A_533 = arith.constant 0 : i32
      %dma_wait3A_534 = arith.constant 0 : i32
      %dma_wait3A_535 = arith.constant 0 : i32
      %dma_wait3A_536 = tpu.memref_slice %arg8[%dma_wait3A_533, %dma_wait3A_534, %dma_wait3A_535] : memref<81x2x128xi32, #tpu.memory_space<vmem>> -> memref<1x1x128xi32, #tpu.memory_space<vmem>>
      %dma_wait3A_537 = tpu.memref_squeeze %dma_wait3A_536 : memref<1x1x128xi32, #tpu.memory_space<vmem>> -> memref<128xi32, #tpu.memory_space<vmem>>
      %dma_wait3A_538 = arith.constant 0 : i32
      %dma_wait3A_539 = arith.constant 0 : i32
      %dma_wait3A_540 = tpu.memref_slice %arg3[%dma_wait3A_538, %dma_wait3A_539] : memref<10240x64xf32, #tpu.memory_space<hbm>> -> memref<10240x64xf32, #tpu.memory_space<hbm>>
      tpu.wait_indirect_dma semaphore(%arg21 : memref<!tpu.dma_semaphore, #tpu.memory_space<semaphore_mem>>) src(%dma_wait3A_540 : memref<10240x64xf32, #tpu.memory_space<hbm>>) dst(%arg10 : memref<128x64xf32, #tpu.memory_space<vmem>>)
      %dma_wait3A_541 = arith.constant 0 : i32
      %dma_wait3A_542 = arith.constant 0 : i32
      %dma_wait3A_543 = arith.constant 0 : i32
      %dma_wait3A_544 = tpu.memref_slice %arg8[%dma_wait3A_541, %dma_wait3A_542, %dma_wait3A_543] : memref<81x2x128xi32, #tpu.memory_space<vmem>> -> memref<1x1x128xi32, #tpu.memory_space<vmem>>
      %dma_wait3A_545 = tpu.memref_squeeze %dma_wait3A_544 : memref<1x1x128xi32, #tpu.memory_space<vmem>> -> memref<128xi32, #tpu.memory_space<vmem>>
      %dma_wait3A_546 = arith.constant 0 : i32
      %dma_wait3A_547 = tpu.memref_slice %arg4[%dma_wait3A_546] : memref<10240xf32, #tpu.memory_space<hbm>> -> memref<10240xf32, #tpu.memory_space<hbm>>
      tpu.wait_indirect_dma semaphore(%arg21 : memref<!tpu.dma_semaphore, #tpu.memory_space<semaphore_mem>>) src(%dma_wait3A_547 : memref<10240xf32, #tpu.memory_space<hbm>>) dst(%arg12 : memref<128xf32, #tpu.memory_space<vmem>>)
      %dma_wait3A_548 = arith.constant 0 : i32
      %dma_wait3A_549 = arith.constant 1 : i32
      %dma_wait3A_550 = arith.constant 0 : i32
      %dma_wait3A_551 = tpu.memref_slice %arg8[%dma_wait3A_548, %dma_wait3A_549, %dma_wait3A_550] : memref<81x2x128xi32, #tpu.memory_space<vmem>> -> memref<1x1x128xi32, #tpu.memory_space<vmem>>
      %dma_wait3A_552 = tpu.memref_squeeze %dma_wait3A_551 : memref<1x1x128xi32, #tpu.memory_space<vmem>> -> memref<128xi32, #tpu.memory_space<vmem>>
      %dma_wait3A_553 = arith.constant 0 : i32
      %dma_wait3A_554 = tpu.memref_slice %arg5[%dma_wait3A_553] : memref<10240xf32, #tpu.memory_space<hbm>> -> memref<10240xf32, #tpu.memory_space<hbm>>
      tpu.wait_indirect_dma semaphore(%arg21 : memref<!tpu.dma_semaphore, #tpu.memory_space<semaphore_mem>>) src(%dma_wait3A_554 : memref<10240xf32, #tpu.memory_space<hbm>>) dst(%arg14 : memref<128xf32, #tpu.memory_space<vmem>>)
      %gt3A_555 = arith.constant 0 : i32
      %gt3A_556 = arith.cmpi sgt, %scan3A_291, %gt3A_555 : i32
      %convert_element_type3A_557 = arith.extui %gt3A_556 : i1 to i32
      %cond3A_558 = arith.constant 0 : i32
      %cond3A_559 = arith.cmpi ne, %convert_element_type3A_557, %cond3A_558 : i32
      scf.if %cond3A_559 {
        %dma_wait3A_735 = arith.constant 0 : i32
        %dma_wait3A_736 = arith.constant 1 : i32
        %dma_wait3A_737 = arith.constant 0 : i32
        %dma_wait3A_738 = tpu.memref_slice %arg8[%dma_wait3A_735, %dma_wait3A_736, %dma_wait3A_737] : memref<81x2x128xi32, #tpu.memory_space<vmem>> -> memref<1x1x128xi32, #tpu.memory_space<vmem>>
        %dma_wait3A_739 = tpu.memref_squeeze %dma_wait3A_738 : memref<1x1x128xi32, #tpu.memory_space<vmem>> -> memref<128xi32, #tpu.memory_space<vmem>>
        %dma_wait3A_740 = arith.constant 0 : i32
        %dma_wait3A_741 = arith.constant 0 : i32
        %dma_wait3A_742 = tpu.memref_slice %arg19[%dma_wait3A_740, %dma_wait3A_741] : memref<10240x80xf32, #tpu.memory_space<vmem_shared>> -> memref<10240x80xf32, #tpu.memory_space<vmem_shared>>
        tpu.wait_indirect_dma semaphore(%arg23 : memref<!tpu.dma_semaphore, #tpu.memory_space<semaphore_mem>>) src(%arg17 : memref<128x80xf32, #tpu.memory_space<vmem>>) dst(%dma_wait3A_742 : memref<10240x80xf32, #tpu.memory_space<vmem_shared>>)
      } else {
      }
      %add3A_560 = arith.constant 1 : i32
      %add3A_561 = arith.addi %mul3A_293, %add3A_560 : i32
      %get3A_562 = arith.constant 0 : index
      %get3A_563 = tpu.vector_load %arg18[%get3A_562] {strides = array<i32>} : memref<16xf32, #tpu.memory_space<vmem>>, vector<16xf32>,
      %get3A_564 = vector.shape_cast %get3A_563 : vector<16xf32> to vector<16xf32>
      %get3A_565 = arith.constant 0 : index
      %get3A_566 = tpu.vector_load %arg12[%get3A_565] {strides = array<i32>} : memref<128xf32, #tpu.memory_space<vmem>>, vector<16xf32>,
      %get3A_567 = vector.shape_cast %get3A_566 : vector<16xf32> to vector<16xf32>
      %get3A_568 = arith.constant 0 : index
      %get3A_569 = tpu.vector_load %arg14[%get3A_568] {strides = array<i32>} : memref<128xf32, #tpu.memory_space<vmem>>, vector<16xf32>,
      %get3A_570 = vector.shape_cast %get3A_569 : vector<16xf32> to vector<16xf32>
      %add3A_571 = arith.addf %get3A_567, %get3A_570 : vector<16xf32>
      %ge3A_572 = arith.constant 0.000000e+00 : f32
      %ge3A_573 = vector.broadcast %ge3A_572 : f32 to vector<16xf32>
      %ge3A_574 = arith.cmpf oge, %add3A_571, %ge3A_573 : vector<16xf32>
      %mul3A_575 = arith.constant 2.000000e-01 : f32
      %mul3A_576 = vector.broadcast %mul3A_575 : f32 to vector<16xf32>
      %mul3A_577 = arith.mulf %mul3A_576, %add3A_571 : vector<16xf32>
      %select_n3A_578 = arith.select %ge3A_574, %add3A_571, %mul3A_577 : vector<16xi1>, vector<16xf32>
      %sub3A_579 = arith.subf %select_n3A_578, %get3A_564 : vector<16xf32>
      %exp3A_580 = math.exp %sub3A_579 : vector<16xf32>
      %swap3A_581 = arith.constant 0 : index
      %swap3A_582 = tpu.vector_load %arg15[%swap3A_581] {strides = array<i32>} : memref<128xf32, #tpu.memory_space<vmem>>, vector<16xf32>,
      %swap3A_583 = vector.shape_cast %swap3A_582 : vector<16xf32> to vector<16xf32>
      %swap3A_584 = vector.shape_cast %exp3A_580 : vector<16xf32> to vector<16xf32>
      tpu.vector_store %arg15[%swap3A_581], %swap3A_584 {strides = array<i32>} : memref<128xf32, #tpu.memory_space<vmem>>, vector<16xf32>,
      %get3A_585 = arith.constant 16 : index
      %get3A_586 = tpu.vector_load %arg12[%get3A_585] {strides = array<i32>} : memref<128xf32, #tpu.memory_space<vmem>>, vector<16xf32>,
      %get3A_587 = vector.shape_cast %get3A_586 : vector<16xf32> to vector<16xf32>
      %get3A_588 = arith.constant 16 : index
      %get3A_589 = tpu.vector_load %arg14[%get3A_588] {strides = array<i32>} : memref<128xf32, #tpu.memory_space<vmem>>, vector<16xf32>,
      %get3A_590 = vector.shape_cast %get3A_589 : vector<16xf32> to vector<16xf32>
      %add3A_591 = arith.addf %get3A_587, %get3A_590 : vector<16xf32>
      %ge3A_592 = arith.constant 0.000000e+00 : f32
      %ge3A_593 = vector.broadcast %ge3A_592 : f32 to vector<16xf32>
      %ge3A_594 = arith.cmpf oge, %add3A_591, %ge3A_593 : vector<16xf32>
      %mul3A_595 = arith.constant 2.000000e-01 : f32
      %mul3A_596 = vector.broadcast %mul3A_595 : f32 to vector<16xf32>
      %mul3A_597 = arith.mulf %mul3A_596, %add3A_591 : vector<16xf32>
      %select_n3A_598 = arith.select %ge3A_594, %add3A_591, %mul3A_597 : vector<16xi1>, vector<16xf32>
      %sub3A_599 = arith.subf %select_n3A_598, %get3A_564 : vector<16xf32>
      %exp3A_600 = math.exp %sub3A_599 : vector<16xf32>
      %swap3A_601 = arith.constant 16 : index
      %swap3A_602 = tpu.vector_load %arg15[%swap3A_601] {strides = array<i32>} : memref<128xf32, #tpu.memory_space<vmem>>, vector<16xf32>,
      %swap3A_603 = vector.shape_cast %swap3A_602 : vector<16xf32> to vector<16xf32>
      %swap3A_604 = vector.shape_cast %exp3A_600 : vector<16xf32> to vector<16xf32>
      tpu.vector_store %arg15[%swap3A_601], %swap3A_604 {strides = array<i32>} : memref<128xf32, #tpu.memory_space<vmem>>, vector<16xf32>,
      %get3A_605 = arith.constant 32 : index
      %get3A_606 = tpu.vector_load %arg12[%get3A_605] {strides = array<i32>} : memref<128xf32, #tpu.memory_space<vmem>>, vector<16xf32>,
      %get3A_607 = vector.shape_cast %get3A_606 : vector<16xf32> to vector<16xf32>
      %get3A_608 = arith.constant 32 : index
      %get3A_609 = tpu.vector_load %arg14[%get3A_608] {strides = array<i32>} : memref<128xf32, #tpu.memory_space<vmem>>, vector<16xf32>,
      %get3A_610 = vector.shape_cast %get3A_609 : vector<16xf32> to vector<16xf32>
      %add3A_611 = arith.addf %get3A_607, %get3A_610 : vector<16xf32>
      %ge3A_612 = arith.constant 0.000000e+00 : f32
      %ge3A_613 = vector.broadcast %ge3A_612 : f32 to vector<16xf32>
      %ge3A_614 = arith.cmpf oge, %add3A_611, %ge3A_613 : vector<16xf32>
      %mul3A_615 = arith.constant 2.000000e-01 : f32
      %mul3A_616 = vector.broadcast %mul3A_615 : f32 to vector<16xf32>
      %mul3A_617 = arith.mulf %mul3A_616, %add3A_611 : vector<16xf32>
      %select_n3A_618 = arith.select %ge3A_614, %add3A_611, %mul3A_617 : vector<16xi1>, vector<16xf32>
      %sub3A_619 = arith.subf %select_n3A_618, %get3A_564 : vector<16xf32>
      %exp3A_620 = math.exp %sub3A_619 : vector<16xf32>
      %swap3A_621 = arith.constant 32 : index
      %swap3A_622 = tpu.vector_load %arg15[%swap3A_621] {strides = array<i32>} : memref<128xf32, #tpu.memory_space<vmem>>, vector<16xf32>,
      %swap3A_623 = vector.shape_cast %swap3A_622 : vector<16xf32> to vector<16xf32>
      %swap3A_624 = vector.shape_cast %exp3A_620 : vector<16xf32> to vector<16xf32>
      tpu.vector_store %arg15[%swap3A_621], %swap3A_624 {strides = array<i32>} : memref<128xf32, #tpu.memory_space<vmem>>, vector<16xf32>,
      %get3A_625 = arith.constant 48 : index
      %get3A_626 = tpu.vector_load %arg12[%get3A_625] {strides = array<i32>} : memref<128xf32, #tpu.memory_space<vmem>>, vector<16xf32>,
      %get3A_627 = vector.shape_cast %get3A_626 : vector<16xf32> to vector<16xf32>
      %get3A_628 = arith.constant 48 : index
      %get3A_629 = tpu.vector_load %arg14[%get3A_628] {strides = array<i32>} : memref<128xf32, #tpu.memory_space<vmem>>, vector<16xf32>,
      %get3A_630 = vector.shape_cast %get3A_629 : vector<16xf32> to vector<16xf32>
      %add3A_631 = arith.addf %get3A_627, %get3A_630 : vector<16xf32>
      %ge3A_632 = arith.constant 0.000000e+00 : f32
      %ge3A_633 = vector.broadcast %ge3A_632 : f32 to vector<16xf32>
      %ge3A_634 = arith.cmpf oge, %add3A_631, %ge3A_633 : vector<16xf32>
      %mul3A_635 = arith.constant 2.000000e-01 : f32
      %mul3A_636 = vector.broadcast %mul3A_635 : f32 to vector<16xf32>
      %mul3A_637 = arith.mulf %mul3A_636, %add3A_631 : vector<16xf32>
      %select_n3A_638 = arith.select %ge3A_634, %add3A_631, %mul3A_637 : vector<16xi1>, vector<16xf32>
      %sub3A_639 = arith.subf %select_n3A_638, %get3A_564 : vector<16xf32>
      %exp3A_640 = math.exp %sub3A_639 : vector<16xf32>
      %swap3A_641 = arith.constant 48 : index
      %swap3A_642 = tpu.vector_load %arg15[%swap3A_641] {strides = array<i32>} : memref<128xf32, #tpu.memory_space<vmem>>, vector<16xf32>,
      %swap3A_643 = vector.shape_cast %swap3A_642 : vector<16xf32> to vector<16xf32>
      %swap3A_644 = vector.shape_cast %exp3A_640 : vector<16xf32> to vector<16xf32>
      tpu.vector_store %arg15[%swap3A_641], %swap3A_644 {strides = array<i32>} : memref<128xf32, #tpu.memory_space<vmem>>, vector<16xf32>,
      %get3A_645 = arith.constant 64 : index
      %get3A_646 = tpu.vector_load %arg12[%get3A_645] {strides = array<i32>} : memref<128xf32, #tpu.memory_space<vmem>>, vector<16xf32>,
      %get3A_647 = vector.shape_cast %get3A_646 : vector<16xf32> to vector<16xf32>
      %get3A_648 = arith.constant 64 : index
      %get3A_649 = tpu.vector_load %arg14[%get3A_648] {strides = array<i32>} : memref<128xf32, #tpu.memory_space<vmem>>, vector<16xf32>,
      %get3A_650 = vector.shape_cast %get3A_649 : vector<16xf32> to vector<16xf32>
      %add3A_651 = arith.addf %get3A_647, %get3A_650 : vector<16xf32>
      %ge3A_652 = arith.constant 0.000000e+00 : f32
      %ge3A_653 = vector.broadcast %ge3A_652 : f32 to vector<16xf32>
      %ge3A_654 = arith.cmpf oge, %add3A_651, %ge3A_653 : vector<16xf32>
      %mul3A_655 = arith.constant 2.000000e-01 : f32
      %mul3A_656 = vector.broadcast %mul3A_655 : f32 to vector<16xf32>
      %mul3A_657 = arith.mulf %mul3A_656, %add3A_651 : vector<16xf32>
      %select_n3A_658 = arith.select %ge3A_654, %add3A_651, %mul3A_657 : vector<16xi1>, vector<16xf32>
      %sub3A_659 = arith.subf %select_n3A_658, %get3A_564 : vector<16xf32>
      %exp3A_660 = math.exp %sub3A_659 : vector<16xf32>
      %swap3A_661 = arith.constant 64 : index
      %swap3A_662 = tpu.vector_load %arg15[%swap3A_661] {strides = array<i32>} : memref<128xf32, #tpu.memory_space<vmem>>, vector<16xf32>,
      %swap3A_663 = vector.shape_cast %swap3A_662 : vector<16xf32> to vector<16xf32>
      %swap3A_664 = vector.shape_cast %exp3A_660 : vector<16xf32> to vector<16xf32>
      tpu.vector_store %arg15[%swap3A_661], %swap3A_664 {strides = array<i32>} : memref<128xf32, #tpu.memory_space<vmem>>, vector<16xf32>,
      %get3A_665 = arith.constant 80 : index
      %get3A_666 = tpu.vector_load %arg12[%get3A_665] {strides = array<i32>} : memref<128xf32, #tpu.memory_space<vmem>>, vector<16xf32>,
      %get3A_667 = vector.shape_cast %get3A_666 : vector<16xf32> to vector<16xf32>
      %get3A_668 = arith.constant 80 : index
      %get3A_669 = tpu.vector_load %arg14[%get3A_668] {strides = array<i32>} : memref<128xf32, #tpu.memory_space<vmem>>, vector<16xf32>,
      %get3A_670 = vector.shape_cast %get3A_669 : vector<16xf32> to vector<16xf32>
      %add3A_671 = arith.addf %get3A_667, %get3A_670 : vector<16xf32>
      %ge3A_672 = arith.constant 0.000000e+00 : f32
      %ge3A_673 = vector.broadcast %ge3A_672 : f32 to vector<16xf32>
      %ge3A_674 = arith.cmpf oge, %add3A_671, %ge3A_673 : vector<16xf32>
      %mul3A_675 = arith.constant 2.000000e-01 : f32
      %mul3A_676 = vector.broadcast %mul3A_675 : f32 to vector<16xf32>
      %mul3A_677 = arith.mulf %mul3A_676, %add3A_671 : vector<16xf32>
      %select_n3A_678 = arith.select %ge3A_674, %add3A_671, %mul3A_677 : vector<16xi1>, vector<16xf32>
      %sub3A_679 = arith.subf %select_n3A_678, %get3A_564 : vector<16xf32>
      %exp3A_680 = math.exp %sub3A_679 : vector<16xf32>
      %swap3A_681 = arith.constant 80 : index
      %swap3A_682 = tpu.vector_load %arg15[%swap3A_681] {strides = array<i32>} : memref<128xf32, #tpu.memory_space<vmem>>, vector<16xf32>,
      %swap3A_683 = vector.shape_cast %swap3A_682 : vector<16xf32> to vector<16xf32>
      %swap3A_684 = vector.shape_cast %exp3A_680 : vector<16xf32> to vector<16xf32>
      tpu.vector_store %arg15[%swap3A_681], %swap3A_684 {strides = array<i32>} : memref<128xf32, #tpu.memory_space<vmem>>, vector<16xf32>,
      %get3A_685 = arith.constant 96 : index
      %get3A_686 = tpu.vector_load %arg12[%get3A_685] {strides = array<i32>} : memref<128xf32, #tpu.memory_space<vmem>>, vector<16xf32>,
      %get3A_687 = vector.shape_cast %get3A_686 : vector<16xf32> to vector<16xf32>
      %get3A_688 = arith.constant 96 : index
      %get3A_689 = tpu.vector_load %arg14[%get3A_688] {strides = array<i32>} : memref<128xf32, #tpu.memory_space<vmem>>, vector<16xf32>,
      %get3A_690 = vector.shape_cast %get3A_689 : vector<16xf32> to vector<16xf32>
      %add3A_691 = arith.addf %get3A_687, %get3A_690 : vector<16xf32>
      %ge3A_692 = arith.constant 0.000000e+00 : f32
      %ge3A_693 = vector.broadcast %ge3A_692 : f32 to vector<16xf32>
      %ge3A_694 = arith.cmpf oge, %add3A_691, %ge3A_693 : vector<16xf32>
      %mul3A_695 = arith.constant 2.000000e-01 : f32
      %mul3A_696 = vector.broadcast %mul3A_695 : f32 to vector<16xf32>
      %mul3A_697 = arith.mulf %mul3A_696, %add3A_691 : vector<16xf32>
      %select_n3A_698 = arith.select %ge3A_694, %add3A_691, %mul3A_697 : vector<16xi1>, vector<16xf32>
      %sub3A_699 = arith.subf %select_n3A_698, %get3A_564 : vector<16xf32>
      %exp3A_700 = math.exp %sub3A_699 : vector<16xf32>
      %swap3A_701 = arith.constant 96 : index
      %swap3A_702 = tpu.vector_load %arg15[%swap3A_701] {strides = array<i32>} : memref<128xf32, #tpu.memory_space<vmem>>, vector<16xf32>,
      %swap3A_703 = vector.shape_cast %swap3A_702 : vector<16xf32> to vector<16xf32>
      %swap3A_704 = vector.shape_cast %exp3A_700 : vector<16xf32> to vector<16xf32>
      tpu.vector_store %arg15[%swap3A_701], %swap3A_704 {strides = array<i32>} : memref<128xf32, #tpu.memory_space<vmem>>, vector<16xf32>,
      %get3A_705 = arith.constant 112 : index
      %get3A_706 = tpu.vector_load %arg12[%get3A_705] {strides = array<i32>} : memref<128xf32, #tpu.memory_space<vmem>>, vector<16xf32>,
      %get3A_707 = vector.shape_cast %get3A_706 : vector<16xf32> to vector<16xf32>
      %get3A_708 = arith.constant 112 : index
      %get3A_709 = tpu.vector_load %arg14[%get3A_708] {strides = array<i32>} : memref<128xf32, #tpu.memory_space<vmem>>, vector<16xf32>,
      %get3A_710 = vector.shape_cast %get3A_709 : vector<16xf32> to vector<16xf32>
      %add3A_711 = arith.addf %get3A_707, %get3A_710 : vector<16xf32>
      %ge3A_712 = arith.constant 0.000000e+00 : f32
      %ge3A_713 = vector.broadcast %ge3A_712 : f32 to vector<16xf32>
      %ge3A_714 = arith.cmpf oge, %add3A_711, %ge3A_713 : vector<16xf32>
      %mul3A_715 = arith.constant 2.000000e-01 : f32
      %mul3A_716 = vector.broadcast %mul3A_715 : f32 to vector<16xf32>
      %mul3A_717 = arith.mulf %mul3A_716, %add3A_711 : vector<16xf32>
      %select_n3A_718 = arith.select %ge3A_714, %add3A_711, %mul3A_717 : vector<16xi1>, vector<16xf32>
      %sub3A_719 = arith.subf %select_n3A_718, %get3A_564 : vector<16xf32>
      %exp3A_720 = math.exp %sub3A_719 : vector<16xf32>
      %swap3A_721 = arith.constant 112 : index
      %swap3A_722 = tpu.vector_load %arg15[%swap3A_721] {strides = array<i32>} : memref<128xf32, #tpu.memory_space<vmem>>, vector<16xf32>,
      %swap3A_723 = vector.shape_cast %swap3A_722 : vector<16xf32> to vector<16xf32>
      %swap3A_724 = vector.shape_cast %exp3A_720 : vector<16xf32> to vector<16xf32>
      tpu.vector_store %arg15[%swap3A_721], %swap3A_724 {strides = array<i32>} : memref<128xf32, #tpu.memory_space<vmem>>, vector<16xf32>,
      %parallel_loop3A_725 = arith.constant 0 : i32
      %parallel_loop3A_726 = arith.constant 128 : i32
      %parallel_loop3A_727 = arith.constant 1 : i32
      scf.for %parallel_loop3A_735 = %parallel_loop3A_725 to %parallel_loop3A_726 step %parallel_loop3A_727  : i32 {
        %parallel_loop3A_736 = arith.constant 16 : i32
        %parallel_loop3A_737 = arith.divsi %parallel_loop3A_735, %parallel_loop3A_736 : i32
        %parallel_loop3A_738 = arith.constant 0 : i32
        %parallel_loop3A_739 = arith.cmpi sgt, %parallel_loop3A_735, %parallel_loop3A_738 : i32
        %parallel_loop3A_740 = arith.extui %parallel_loop3A_739 : i1 to i32
        %parallel_loop3A_741 = arith.constant 0 : i32
        %parallel_loop3A_742 = arith.cmpi slt, %parallel_loop3A_735, %parallel_loop3A_741 : i32
        %parallel_loop3A_743 = arith.extui %parallel_loop3A_742 : i1 to i32
        %parallel_loop3A_744 = arith.subi %parallel_loop3A_740, %parallel_loop3A_743 : i32
        %parallel_loop3A_745 = arith.constant 0 : i32
        %parallel_loop3A_746 = arith.cmpi sgt, %parallel_loop3A_736, %parallel_loop3A_745 : i32
        %parallel_loop3A_747 = arith.extui %parallel_loop3A_746 : i1 to i32
        %parallel_loop3A_748 = arith.constant 0 : i32
        %parallel_loop3A_749 = arith.cmpi slt, %parallel_loop3A_736, %parallel_loop3A_748 : i32
        %parallel_loop3A_750 = arith.extui %parallel_loop3A_749 : i1 to i32
        %parallel_loop3A_751 = arith.subi %parallel_loop3A_747, %parallel_loop3A_750 : i32
        %parallel_loop3A_752 = arith.cmpi ne, %parallel_loop3A_744, %parallel_loop3A_751 : i32
        %parallel_loop3A_753 = arith.remsi %parallel_loop3A_735, %parallel_loop3A_736 : i32
        %parallel_loop3A_754 = arith.constant 0 : i32
        %parallel_loop3A_755 = arith.cmpi ne, %parallel_loop3A_753, %parallel_loop3A_754 : i32
        %parallel_loop3A_756 = arith.andi %parallel_loop3A_752, %parallel_loop3A_755 : i1
        %parallel_loop3A_757 = arith.constant 1 : i32
        %parallel_loop3A_758 = arith.subi %parallel_loop3A_737, %parallel_loop3A_757 : i32
        %parallel_loop3A_759 = arith.select %parallel_loop3A_756, %parallel_loop3A_758, %parallel_loop3A_737 : i32
        %parallel_loop3A_760 = arith.constant 16 : i32
        %parallel_loop3A_761 = arith.muli %parallel_loop3A_759, %parallel_loop3A_760 : i32
        %parallel_loop3A_762 = arith.index_cast %parallel_loop3A_761 : i32 to index
        %parallel_loop3A_763 = tpu.vector_load %arg15[%parallel_loop3A_762] {strides = array<i32>} : memref<128xf32, #tpu.memory_space<vmem>>, vector<16xf32>,
        %parallel_loop3A_764 = vector.shape_cast %parallel_loop3A_763 : vector<16xf32> to vector<16xf32>
        %parallel_loop3A_765 = arith.subi %parallel_loop3A_735, %parallel_loop3A_761 : i32
        %parallel_loop3A_766 = vector.broadcast %parallel_loop3A_765 : i32 to vector<16xi32>
        %parallel_loop3A_767 = arith.constant 0 : i32
        %parallel_loop3A_768 = vector.broadcast %parallel_loop3A_767 : i32 to vector<16xi32>
        %parallel_loop3A_769 = arith.cmpi slt, %parallel_loop3A_766, %parallel_loop3A_768 : vector<16xi32>
        %parallel_loop3A_770 = arith.constant 16 : i32
        %parallel_loop3A_771 = vector.broadcast %parallel_loop3A_770 : i32 to vector<16xi32>
        %parallel_loop3A_772 = arith.addi %parallel_loop3A_766, %parallel_loop3A_771 : vector<16xi32>
        %parallel_loop3A_773 = arith.select %parallel_loop3A_769, %parallel_loop3A_772, %parallel_loop3A_766 : vector<16xi1>, vector<16xi32>
        %parallel_loop3A_774 = vector.shape_cast %parallel_loop3A_773 : vector<16xi32> to vector<16x1xi32>
        %parallel_loop3A_775 = vector.shape_cast %parallel_loop3A_774 : vector<16x1xi32> to vector<16xi32>
        %parallel_loop3A_776 = tpu.dynamic_gather %parallel_loop3A_764[%parallel_loop3A_775] in [0] : vector<16xf32>, vector<16xi32> -> vector<16xf32>
        %parallel_loop3A_777 = arith.index_cast %parallel_loop3A_735 : i32 to index
        %parallel_loop3A_778 = arith.constant 0 : index
        %parallel_loop3A_779 = tpu.vector_load %arg10[%parallel_loop3A_777, %parallel_loop3A_778] {strides = array<i32>} : memref<128x64xf32, #tpu.memory_space<vmem>>, vector<1x16xf32>,
        %parallel_loop3A_780 = vector.shape_cast %parallel_loop3A_779 : vector<1x16xf32> to vector<16xf32>
        %parallel_loop3A_781 = arith.mulf %parallel_loop3A_780, %parallel_loop3A_776 : vector<16xf32>
        %parallel_loop3A_782 = arith.index_cast %parallel_loop3A_735 : i32 to index
        %parallel_loop3A_783 = arith.constant 0 : index
        %parallel_loop3A_784 = tpu.vector_load %arg17[%parallel_loop3A_782, %parallel_loop3A_783] {strides = array<i32>} : memref<128x80xf32, #tpu.memory_space<vmem>>, vector<1x16xf32>,
        %parallel_loop3A_785 = vector.shape_cast %parallel_loop3A_784 : vector<1x16xf32> to vector<16xf32>
        %parallel_loop3A_786 = vector.shape_cast %parallel_loop3A_781 : vector<16xf32> to vector<1x16xf32>
        tpu.vector_store %arg17[%parallel_loop3A_782, %parallel_loop3A_783], %parallel_loop3A_786 {strides = array<i32>} : memref<128x80xf32, #tpu.memory_space<vmem>>, vector<1x16xf32>,
        %parallel_loop3A_787 = arith.index_cast %parallel_loop3A_735 : i32 to index
        %parallel_loop3A_788 = arith.constant 16 : index
        %parallel_loop3A_789 = tpu.vector_load %arg10[%parallel_loop3A_787, %parallel_loop3A_788] {strides = array<i32>} : memref<128x64xf32, #tpu.memory_space<vmem>>, vector<1x16xf32>,
        %parallel_loop3A_790 = vector.shape_cast %parallel_loop3A_789 : vector<1x16xf32> to vector<16xf32>
        %parallel_loop3A_791 = arith.mulf %parallel_loop3A_790, %parallel_loop3A_776 : vector<16xf32>
        %parallel_loop3A_792 = arith.index_cast %parallel_loop3A_735 : i32 to index
        %parallel_loop3A_793 = arith.constant 16 : index
        %parallel_loop3A_794 = tpu.vector_load %arg17[%parallel_loop3A_792, %parallel_loop3A_793] {strides = array<i32>} : memref<128x80xf32, #tpu.memory_space<vmem>>, vector<1x16xf32>,
        %parallel_loop3A_795 = vector.shape_cast %parallel_loop3A_794 : vector<1x16xf32> to vector<16xf32>
        %parallel_loop3A_796 = vector.shape_cast %parallel_loop3A_791 : vector<16xf32> to vector<1x16xf32>
        tpu.vector_store %arg17[%parallel_loop3A_792, %parallel_loop3A_793], %parallel_loop3A_796 {strides = array<i32>} : memref<128x80xf32, #tpu.memory_space<vmem>>, vector<1x16xf32>,
        %parallel_loop3A_797 = arith.index_cast %parallel_loop3A_735 : i32 to index
        %parallel_loop3A_798 = arith.constant 32 : index
        %parallel_loop3A_799 = tpu.vector_load %arg10[%parallel_loop3A_797, %parallel_loop3A_798] {strides = array<i32>} : memref<128x64xf32, #tpu.memory_space<vmem>>, vector<1x16xf32>,
        %parallel_loop3A_800 = vector.shape_cast %parallel_loop3A_799 : vector<1x16xf32> to vector<16xf32>
        %parallel_loop3A_801 = arith.mulf %parallel_loop3A_800, %parallel_loop3A_776 : vector<16xf32>
        %parallel_loop3A_802 = arith.index_cast %parallel_loop3A_735 : i32 to index
        %parallel_loop3A_803 = arith.constant 32 : index
        %parallel_loop3A_804 = tpu.vector_load %arg17[%parallel_loop3A_802, %parallel_loop3A_803] {strides = array<i32>} : memref<128x80xf32, #tpu.memory_space<vmem>>, vector<1x16xf32>,
        %parallel_loop3A_805 = vector.shape_cast %parallel_loop3A_804 : vector<1x16xf32> to vector<16xf32>
        %parallel_loop3A_806 = vector.shape_cast %parallel_loop3A_801 : vector<16xf32> to vector<1x16xf32>
        tpu.vector_store %arg17[%parallel_loop3A_802, %parallel_loop3A_803], %parallel_loop3A_806 {strides = array<i32>} : memref<128x80xf32, #tpu.memory_space<vmem>>, vector<1x16xf32>,
        %parallel_loop3A_807 = arith.index_cast %parallel_loop3A_735 : i32 to index
        %parallel_loop3A_808 = arith.constant 48 : index
        %parallel_loop3A_809 = tpu.vector_load %arg10[%parallel_loop3A_807, %parallel_loop3A_808] {strides = array<i32>} : memref<128x64xf32, #tpu.memory_space<vmem>>, vector<1x16xf32>,
        %parallel_loop3A_810 = vector.shape_cast %parallel_loop3A_809 : vector<1x16xf32> to vector<16xf32>
        %parallel_loop3A_811 = arith.mulf %parallel_loop3A_810, %parallel_loop3A_776 : vector<16xf32>
        %parallel_loop3A_812 = arith.index_cast %parallel_loop3A_735 : i32 to index
        %parallel_loop3A_813 = arith.constant 48 : index
        %parallel_loop3A_814 = tpu.vector_load %arg17[%parallel_loop3A_812, %parallel_loop3A_813] {strides = array<i32>} : memref<128x80xf32, #tpu.memory_space<vmem>>, vector<1x16xf32>,
        %parallel_loop3A_815 = vector.shape_cast %parallel_loop3A_814 : vector<1x16xf32> to vector<16xf32>
        %parallel_loop3A_816 = vector.shape_cast %parallel_loop3A_811 : vector<16xf32> to vector<1x16xf32>
        tpu.vector_store %arg17[%parallel_loop3A_812, %parallel_loop3A_813], %parallel_loop3A_816 {strides = array<i32>} : memref<128x80xf32, #tpu.memory_space<vmem>>, vector<1x16xf32>,
        %parallel_loop3A_817 = arith.constant 0 : i32
        %parallel_loop3A_818 = vector.broadcast %parallel_loop3A_817 : i32 to vector<16xi32>
        %parallel_loop3A_819 = arith.cmpi eq, %iota3A, %parallel_loop3A_818 : vector<16xi32>
        %parallel_loop3A_820 = arith.constant 0.000000e+00 : f32
        %parallel_loop3A_821 = vector.broadcast %parallel_loop3A_820 : f32 to vector<16xf32>
        %parallel_loop3A_822 = arith.select %parallel_loop3A_819, %parallel_loop3A_776, %parallel_loop3A_821 : vector<16xi1>, vector<16xf32>
        %parallel_loop3A_823 = arith.index_cast %parallel_loop3A_735 : i32 to index
        %parallel_loop3A_824 = arith.constant 64 : index
        %parallel_loop3A_825 = tpu.vector_load %arg17[%parallel_loop3A_823, %parallel_loop3A_824] {strides = array<i32>} : memref<128x80xf32, #tpu.memory_space<vmem>>, vector<1x16xf32>,
        %parallel_loop3A_826 = vector.shape_cast %parallel_loop3A_825 : vector<1x16xf32> to vector<16xf32>
        %parallel_loop3A_827 = vector.shape_cast %parallel_loop3A_822 : vector<16xf32> to vector<1x16xf32>
        tpu.vector_store %arg17[%parallel_loop3A_823, %parallel_loop3A_824], %parallel_loop3A_827 {strides = array<i32>} : memref<128x80xf32, #tpu.memory_space<vmem>>, vector<1x16xf32>,
      } {sc.loop_unroll_factor = 4 : i64, sc.parallel_access}
      %dma_start3A_728 = arith.constant 1 : i32
      %dma_start3A_729 = arith.constant 0 : i32
      %dma_start3A_730 = tpu.memref_slice %arg8[%add3A_561, %dma_start3A_728, %dma_start3A_729] : memref<81x2x128xi32, #tpu.memory_space<vmem>> -> memref<1x1x128xi32, #tpu.memory_space<vmem>>
      %dma_start3A_731 = tpu.memref_squeeze %dma_start3A_730 : memref<1x1x128xi32, #tpu.memory_space<vmem>> -> memref<128xi32, #tpu.memory_space<vmem>>
      %dma_start3A_732 = arith.constant 0 : i32
      %dma_start3A_733 = arith.constant 0 : i32
      %dma_start3A_734 = tpu.memref_slice %arg19[%dma_start3A_732, %dma_start3A_733] : memref<10240x80xf32, #tpu.memory_space<vmem_shared>> -> memref<10240x80xf32, #tpu.memory_space<vmem_shared>>
      tpu.enqueue_indirect_dma source(%arg17 : memref<128x80xf32, #tpu.memory_space<vmem>>) target(%dma_start3A_734 : memref<10240x80xf32, #tpu.memory_space<vmem_shared>>) offsets(%dma_start3A_731 : memref<128xi32, #tpu.memory_space<vmem>>) semaphore(%arg23 : memref<!tpu.dma_semaphore, #tpu.memory_space<semaphore_mem>>) {add = true}
    }
    %scan3A_72 = arith.constant 40 : i32
    %dma_wait3A_73 = arith.constant 0 : i32
    %dma_wait3A_74 = arith.constant 0 : i32
    %dma_wait3A_75 = arith.constant 0 : i32
    %dma_wait3A_76 = tpu.memref_slice %arg8[%dma_wait3A_73, %dma_wait3A_74, %dma_wait3A_75] : memref<81x2x128xi32, #tpu.memory_space<vmem>> -> memref<1x1x128xi32, #tpu.memory_space<vmem>>
    %dma_wait3A_77 = tpu.memref_squeeze %dma_wait3A_76 : memref<1x1x128xi32, #tpu.memory_space<vmem>> -> memref<128xi32, #tpu.memory_space<vmem>>
    %dma_wait3A_78 = arith.constant 0 : i32
    %dma_wait3A_79 = arith.constant 0 : i32
    %dma_wait3A_80 = tpu.memref_slice %arg3[%dma_wait3A_78, %dma_wait3A_79] : memref<10240x64xf32, #tpu.memory_space<hbm>> -> memref<10240x64xf32, #tpu.memory_space<hbm>>
    tpu.wait_indirect_dma semaphore(%arg20 : memref<!tpu.dma_semaphore, #tpu.memory_space<semaphore_mem>>) src(%dma_wait3A_80 : memref<10240x64xf32, #tpu.memory_space<hbm>>) dst(%arg9 : memref<128x64xf32, #tpu.memory_space<vmem>>)
    %dma_wait3A_81 = arith.constant 0 : i32
    %dma_wait3A_82 = arith.constant 0 : i32
    %dma_wait3A_83 = arith.constant 0 : i32
    %dma_wait3A_84 = tpu.memref_slice %arg8[%dma_wait3A_81, %dma_wait3A_82, %dma_wait3A_83] : memref<81x2x128xi32, #tpu.memory_space<vmem>> -> memref<1x1x128xi32, #tpu.memory_space<vmem>>
    %dma_wait3A_85 = tpu.memref_squeeze %dma_wait3A_84 : memref<1x1x128xi32, #tpu.memory_space<vmem>> -> memref<128xi32, #tpu.memory_space<vmem>>
    %dma_wait3A_86 = arith.constant 0 : i32
    %dma_wait3A_87 = tpu.memref_slice %arg4[%dma_wait3A_86] : memref<10240xf32, #tpu.memory_space<hbm>> -> memref<10240xf32, #tpu.memory_space<hbm>>
    tpu.wait_indirect_dma semaphore(%arg20 : memref<!tpu.dma_semaphore, #tpu.memory_space<semaphore_mem>>) src(%dma_wait3A_87 : memref<10240xf32, #tpu.memory_space<hbm>>) dst(%arg11 : memref<128xf32, #tpu.memory_space<vmem>>)
    %dma_wait3A_88 = arith.constant 0 : i32
    %dma_wait3A_89 = arith.constant 1 : i32
    %dma_wait3A_90 = arith.constant 0 : i32
    %dma_wait3A_91 = tpu.memref_slice %arg8[%dma_wait3A_88, %dma_wait3A_89, %dma_wait3A_90] : memref<81x2x128xi32, #tpu.memory_space<vmem>> -> memref<1x1x128xi32, #tpu.memory_space<vmem>>
    %dma_wait3A_92 = tpu.memref_squeeze %dma_wait3A_91 : memref<1x1x128xi32, #tpu.memory_space<vmem>> -> memref<128xi32, #tpu.memory_space<vmem>>
    %dma_wait3A_93 = arith.constant 0 : i32
    %dma_wait3A_94 = tpu.memref_slice %arg5[%dma_wait3A_93] : memref<10240xf32, #tpu.memory_space<hbm>> -> memref<10240xf32, #tpu.memory_space<hbm>>
    tpu.wait_indirect_dma semaphore(%arg20 : memref<!tpu.dma_semaphore, #tpu.memory_space<semaphore_mem>>) src(%dma_wait3A_94 : memref<10240xf32, #tpu.memory_space<hbm>>) dst(%arg13 : memref<128xf32, #tpu.memory_space<vmem>>)
    %dma_wait3A_95 = arith.constant 0 : i32
    %dma_wait3A_96 = arith.constant 1 : i32
    %dma_wait3A_97 = arith.constant 0 : i32
    %dma_wait3A_98 = tpu.memref_slice %arg8[%dma_wait3A_95, %dma_wait3A_96, %dma_wait3A_97] : memref<81x2x128xi32, #tpu.memory_space<vmem>> -> memref<1x1x128xi32, #tpu.memory_space<vmem>>
    %dma_wait3A_99 = tpu.memref_squeeze %dma_wait3A_98 : memref<1x1x128xi32, #tpu.memory_space<vmem>> -> memref<128xi32, #tpu.memory_space<vmem>>
    %dma_wait3A_100 = arith.constant 0 : i32
    %dma_wait3A_101 = arith.constant 0 : i32
    %dma_wait3A_102 = tpu.memref_slice %arg19[%dma_wait3A_100, %dma_wait3A_101] : memref<10240x80xf32, #tpu.memory_space<vmem_shared>> -> memref<10240x80xf32, #tpu.memory_space<vmem_shared>>
    tpu.wait_indirect_dma semaphore(%arg22 : memref<!tpu.dma_semaphore, #tpu.memory_space<semaphore_mem>>) src(%arg16 : memref<128x80xf32, #tpu.memory_space<vmem>>) dst(%dma_wait3A_102 : memref<10240x80xf32, #tpu.memory_space<vmem_shared>>)
    %get3A = arith.constant 0 : index
    %get3A_103 = tpu.vector_load %arg18[%get3A] {strides = array<i32>} : memref<16xf32, #tpu.memory_space<vmem>>, vector<16xf32>,
    %get3A_104 = vector.shape_cast %get3A_103 : vector<16xf32> to vector<16xf32>
    %get3A_105 = arith.constant 0 : index
    %get3A_106 = tpu.vector_load %arg11[%get3A_105] {strides = array<i32>} : memref<128xf32, #tpu.memory_space<vmem>>, vector<16xf32>,
    %get3A_107 = vector.shape_cast %get3A_106 : vector<16xf32> to vector<16xf32>
    %get3A_108 = arith.constant 0 : index
    %get3A_109 = tpu.vector_load %arg13[%get3A_108] {strides = array<i32>} : memref<128xf32, #tpu.memory_space<vmem>>, vector<16xf32>,
    %get3A_110 = vector.shape_cast %get3A_109 : vector<16xf32> to vector<16xf32>
    %add3A_111 = arith.addf %get3A_107, %get3A_110 : vector<16xf32>
    %ge3A = arith.constant 0.000000e+00 : f32
    %ge3A_112 = vector.broadcast %ge3A : f32 to vector<16xf32>
    %ge3A_113 = arith.cmpf oge, %add3A_111, %ge3A_112 : vector<16xf32>
    %mul3A_114 = arith.constant 2.000000e-01 : f32
    %mul3A_115 = vector.broadcast %mul3A_114 : f32 to vector<16xf32>
    %mul3A_116 = arith.mulf %mul3A_115, %add3A_111 : vector<16xf32>
    %select_n3A = arith.select %ge3A_113, %add3A_111, %mul3A_116 : vector<16xi1>, vector<16xf32>
    %sub3A = arith.subf %select_n3A, %get3A_104 : vector<16xf32>
    %exp3A = math.exp %sub3A : vector<16xf32>
    %swap3A = arith.constant 0 : index
    %swap3A_117 = tpu.vector_load %arg15[%swap3A] {strides = array<i32>} : memref<128xf32, #tpu.memory_space<vmem>>, vector<16xf32>,
    %swap3A_118 = vector.shape_cast %swap3A_117 : vector<16xf32> to vector<16xf32>
    %swap3A_119 = vector.shape_cast %exp3A : vector<16xf32> to vector<16xf32>
    tpu.vector_store %arg15[%swap3A], %swap3A_119 {strides = array<i32>} : memref<128xf32, #tpu.memory_space<vmem>>, vector<16xf32>,
    %get3A_120 = arith.constant 16 : index
    %get3A_121 = tpu.vector_load %arg11[%get3A_120] {strides = array<i32>} : memref<128xf32, #tpu.memory_space<vmem>>, vector<16xf32>,
    %get3A_122 = vector.shape_cast %get3A_121 : vector<16xf32> to vector<16xf32>
    %get3A_123 = arith.constant 16 : index
    %get3A_124 = tpu.vector_load %arg13[%get3A_123] {strides = array<i32>} : memref<128xf32, #tpu.memory_space<vmem>>, vector<16xf32>,
    %get3A_125 = vector.shape_cast %get3A_124 : vector<16xf32> to vector<16xf32>
    %add3A_126 = arith.addf %get3A_122, %get3A_125 : vector<16xf32>
    %ge3A_127 = arith.constant 0.000000e+00 : f32
    %ge3A_128 = vector.broadcast %ge3A_127 : f32 to vector<16xf32>
    %ge3A_129 = arith.cmpf oge, %add3A_126, %ge3A_128 : vector<16xf32>
    %mul3A_130 = arith.constant 2.000000e-01 : f32
    %mul3A_131 = vector.broadcast %mul3A_130 : f32 to vector<16xf32>
    %mul3A_132 = arith.mulf %mul3A_131, %add3A_126 : vector<16xf32>
    %select_n3A_133 = arith.select %ge3A_129, %add3A_126, %mul3A_132 : vector<16xi1>, vector<16xf32>
    %sub3A_134 = arith.subf %select_n3A_133, %get3A_104 : vector<16xf32>
    %exp3A_135 = math.exp %sub3A_134 : vector<16xf32>
    %swap3A_136 = arith.constant 16 : index
    %swap3A_137 = tpu.vector_load %arg15[%swap3A_136] {strides = array<i32>} : memref<128xf32, #tpu.memory_space<vmem>>, vector<16xf32>,
    %swap3A_138 = vector.shape_cast %swap3A_137 : vector<16xf32> to vector<16xf32>
    %swap3A_139 = vector.shape_cast %exp3A_135 : vector<16xf32> to vector<16xf32>
    tpu.vector_store %arg15[%swap3A_136], %swap3A_139 {strides = array<i32>} : memref<128xf32, #tpu.memory_space<vmem>>, vector<16xf32>,
    %get3A_140 = arith.constant 32 : index
    %get3A_141 = tpu.vector_load %arg11[%get3A_140] {strides = array<i32>} : memref<128xf32, #tpu.memory_space<vmem>>, vector<16xf32>,
    %get3A_142 = vector.shape_cast %get3A_141 : vector<16xf32> to vector<16xf32>
    %get3A_143 = arith.constant 32 : index
    %get3A_144 = tpu.vector_load %arg13[%get3A_143] {strides = array<i32>} : memref<128xf32, #tpu.memory_space<vmem>>, vector<16xf32>,
    %get3A_145 = vector.shape_cast %get3A_144 : vector<16xf32> to vector<16xf32>
    %add3A_146 = arith.addf %get3A_142, %get3A_145 : vector<16xf32>
    %ge3A_147 = arith.constant 0.000000e+00 : f32
    %ge3A_148 = vector.broadcast %ge3A_147 : f32 to vector<16xf32>
    %ge3A_149 = arith.cmpf oge, %add3A_146, %ge3A_148 : vector<16xf32>
    %mul3A_150 = arith.constant 2.000000e-01 : f32
    %mul3A_151 = vector.broadcast %mul3A_150 : f32 to vector<16xf32>
    %mul3A_152 = arith.mulf %mul3A_151, %add3A_146 : vector<16xf32>
    %select_n3A_153 = arith.select %ge3A_149, %add3A_146, %mul3A_152 : vector<16xi1>, vector<16xf32>
    %sub3A_154 = arith.subf %select_n3A_153, %get3A_104 : vector<16xf32>
    %exp3A_155 = math.exp %sub3A_154 : vector<16xf32>
    %swap3A_156 = arith.constant 32 : index
    %swap3A_157 = tpu.vector_load %arg15[%swap3A_156] {strides = array<i32>} : memref<128xf32, #tpu.memory_space<vmem>>, vector<16xf32>,
    %swap3A_158 = vector.shape_cast %swap3A_157 : vector<16xf32> to vector<16xf32>
    %swap3A_159 = vector.shape_cast %exp3A_155 : vector<16xf32> to vector<16xf32>
    tpu.vector_store %arg15[%swap3A_156], %swap3A_159 {strides = array<i32>} : memref<128xf32, #tpu.memory_space<vmem>>, vector<16xf32>,
    %get3A_160 = arith.constant 48 : index
    %get3A_161 = tpu.vector_load %arg11[%get3A_160] {strides = array<i32>} : memref<128xf32, #tpu.memory_space<vmem>>, vector<16xf32>,
    %get3A_162 = vector.shape_cast %get3A_161 : vector<16xf32> to vector<16xf32>
    %get3A_163 = arith.constant 48 : index
    %get3A_164 = tpu.vector_load %arg13[%get3A_163] {strides = array<i32>} : memref<128xf32, #tpu.memory_space<vmem>>, vector<16xf32>,
    %get3A_165 = vector.shape_cast %get3A_164 : vector<16xf32> to vector<16xf32>
    %add3A_166 = arith.addf %get3A_162, %get3A_165 : vector<16xf32>
    %ge3A_167 = arith.constant 0.000000e+00 : f32
    %ge3A_168 = vector.broadcast %ge3A_167 : f32 to vector<16xf32>
    %ge3A_169 = arith.cmpf oge, %add3A_166, %ge3A_168 : vector<16xf32>
    %mul3A_170 = arith.constant 2.000000e-01 : f32
    %mul3A_171 = vector.broadcast %mul3A_170 : f32 to vector<16xf32>
    %mul3A_172 = arith.mulf %mul3A_171, %add3A_166 : vector<16xf32>
    %select_n3A_173 = arith.select %ge3A_169, %add3A_166, %mul3A_172 : vector<16xi1>, vector<16xf32>
    %sub3A_174 = arith.subf %select_n3A_173, %get3A_104 : vector<16xf32>
    %exp3A_175 = math.exp %sub3A_174 : vector<16xf32>
    %swap3A_176 = arith.constant 48 : index
    %swap3A_177 = tpu.vector_load %arg15[%swap3A_176] {strides = array<i32>} : memref<128xf32, #tpu.memory_space<vmem>>, vector<16xf32>,
    %swap3A_178 = vector.shape_cast %swap3A_177 : vector<16xf32> to vector<16xf32>
    %swap3A_179 = vector.shape_cast %exp3A_175 : vector<16xf32> to vector<16xf32>
    tpu.vector_store %arg15[%swap3A_176], %swap3A_179 {strides = array<i32>} : memref<128xf32, #tpu.memory_space<vmem>>, vector<16xf32>,
    %get3A_180 = arith.constant 64 : index
    %get3A_181 = tpu.vector_load %arg11[%get3A_180] {strides = array<i32>} : memref<128xf32, #tpu.memory_space<vmem>>, vector<16xf32>,
    %get3A_182 = vector.shape_cast %get3A_181 : vector<16xf32> to vector<16xf32>
    %get3A_183 = arith.constant 64 : index
    %get3A_184 = tpu.vector_load %arg13[%get3A_183] {strides = array<i32>} : memref<128xf32, #tpu.memory_space<vmem>>, vector<16xf32>,
    %get3A_185 = vector.shape_cast %get3A_184 : vector<16xf32> to vector<16xf32>
    %add3A_186 = arith.addf %get3A_182, %get3A_185 : vector<16xf32>
    %ge3A_187 = arith.constant 0.000000e+00 : f32
    %ge3A_188 = vector.broadcast %ge3A_187 : f32 to vector<16xf32>
    %ge3A_189 = arith.cmpf oge, %add3A_186, %ge3A_188 : vector<16xf32>
    %mul3A_190 = arith.constant 2.000000e-01 : f32
    %mul3A_191 = vector.broadcast %mul3A_190 : f32 to vector<16xf32>
    %mul3A_192 = arith.mulf %mul3A_191, %add3A_186 : vector<16xf32>
    %select_n3A_193 = arith.select %ge3A_189, %add3A_186, %mul3A_192 : vector<16xi1>, vector<16xf32>
    %sub3A_194 = arith.subf %select_n3A_193, %get3A_104 : vector<16xf32>
    %exp3A_195 = math.exp %sub3A_194 : vector<16xf32>
    %swap3A_196 = arith.constant 64 : index
    %swap3A_197 = tpu.vector_load %arg15[%swap3A_196] {strides = array<i32>} : memref<128xf32, #tpu.memory_space<vmem>>, vector<16xf32>,
    %swap3A_198 = vector.shape_cast %swap3A_197 : vector<16xf32> to vector<16xf32>
    %swap3A_199 = vector.shape_cast %exp3A_195 : vector<16xf32> to vector<16xf32>
    tpu.vector_store %arg15[%swap3A_196], %swap3A_199 {strides = array<i32>} : memref<128xf32, #tpu.memory_space<vmem>>, vector<16xf32>,
    %get3A_200 = arith.constant 80 : index
    %get3A_201 = tpu.vector_load %arg11[%get3A_200] {strides = array<i32>} : memref<128xf32, #tpu.memory_space<vmem>>, vector<16xf32>,
    %get3A_202 = vector.shape_cast %get3A_201 : vector<16xf32> to vector<16xf32>
    %get3A_203 = arith.constant 80 : index
    %get3A_204 = tpu.vector_load %arg13[%get3A_203] {strides = array<i32>} : memref<128xf32, #tpu.memory_space<vmem>>, vector<16xf32>,
    %get3A_205 = vector.shape_cast %get3A_204 : vector<16xf32> to vector<16xf32>
    %add3A_206 = arith.addf %get3A_202, %get3A_205 : vector<16xf32>
    %ge3A_207 = arith.constant 0.000000e+00 : f32
    %ge3A_208 = vector.broadcast %ge3A_207 : f32 to vector<16xf32>
    %ge3A_209 = arith.cmpf oge, %add3A_206, %ge3A_208 : vector<16xf32>
    %mul3A_210 = arith.constant 2.000000e-01 : f32
    %mul3A_211 = vector.broadcast %mul3A_210 : f32 to vector<16xf32>
    %mul3A_212 = arith.mulf %mul3A_211, %add3A_206 : vector<16xf32>
    %select_n3A_213 = arith.select %ge3A_209, %add3A_206, %mul3A_212 : vector<16xi1>, vector<16xf32>
    %sub3A_214 = arith.subf %select_n3A_213, %get3A_104 : vector<16xf32>
    %exp3A_215 = math.exp %sub3A_214 : vector<16xf32>
    %swap3A_216 = arith.constant 80 : index
    %swap3A_217 = tpu.vector_load %arg15[%swap3A_216] {strides = array<i32>} : memref<128xf32, #tpu.memory_space<vmem>>, vector<16xf32>,
    %swap3A_218 = vector.shape_cast %swap3A_217 : vector<16xf32> to vector<16xf32>
    %swap3A_219 = vector.shape_cast %exp3A_215 : vector<16xf32> to vector<16xf32>
    tpu.vector_store %arg15[%swap3A_216], %swap3A_219 {strides = array<i32>} : memref<128xf32, #tpu.memory_space<vmem>>, vector<16xf32>,
    %get3A_220 = arith.constant 96 : index
    %get3A_221 = tpu.vector_load %arg11[%get3A_220] {strides = array<i32>} : memref<128xf32, #tpu.memory_space<vmem>>, vector<16xf32>,
    %get3A_222 = vector.shape_cast %get3A_221 : vector<16xf32> to vector<16xf32>
    %get3A_223 = arith.constant 96 : index
    %get3A_224 = tpu.vector_load %arg13[%get3A_223] {strides = array<i32>} : memref<128xf32, #tpu.memory_space<vmem>>, vector<16xf32>,
    %get3A_225 = vector.shape_cast %get3A_224 : vector<16xf32> to vector<16xf32>
    %add3A_226 = arith.addf %get3A_222, %get3A_225 : vector<16xf32>
    %ge3A_227 = arith.constant 0.000000e+00 : f32
    %ge3A_228 = vector.broadcast %ge3A_227 : f32 to vector<16xf32>
    %ge3A_229 = arith.cmpf oge, %add3A_226, %ge3A_228 : vector<16xf32>
    %mul3A_230 = arith.constant 2.000000e-01 : f32
    %mul3A_231 = vector.broadcast %mul3A_230 : f32 to vector<16xf32>
    %mul3A_232 = arith.mulf %mul3A_231, %add3A_226 : vector<16xf32>
    %select_n3A_233 = arith.select %ge3A_229, %add3A_226, %mul3A_232 : vector<16xi1>, vector<16xf32>
    %sub3A_234 = arith.subf %select_n3A_233, %get3A_104 : vector<16xf32>
    %exp3A_235 = math.exp %sub3A_234 : vector<16xf32>
    %swap3A_236 = arith.constant 96 : index
    %swap3A_237 = tpu.vector_load %arg15[%swap3A_236] {strides = array<i32>} : memref<128xf32, #tpu.memory_space<vmem>>, vector<16xf32>,
    %swap3A_238 = vector.shape_cast %swap3A_237 : vector<16xf32> to vector<16xf32>
    %swap3A_239 = vector.shape_cast %exp3A_235 : vector<16xf32> to vector<16xf32>
    tpu.vector_store %arg15[%swap3A_236], %swap3A_239 {strides = array<i32>} : memref<128xf32, #tpu.memory_space<vmem>>, vector<16xf32>,
    %get3A_240 = arith.constant 112 : index
    %get3A_241 = tpu.vector_load %arg11[%get3A_240] {strides = array<i32>} : memref<128xf32, #tpu.memory_space<vmem>>, vector<16xf32>,
    %get3A_242 = vector.shape_cast %get3A_241 : vector<16xf32> to vector<16xf32>
    %get3A_243 = arith.constant 112 : index
    %get3A_244 = tpu.vector_load %arg13[%get3A_243] {strides = array<i32>} : memref<128xf32, #tpu.memory_space<vmem>>, vector<16xf32>,
    %get3A_245 = vector.shape_cast %get3A_244 : vector<16xf32> to vector<16xf32>
    %add3A_246 = arith.addf %get3A_242, %get3A_245 : vector<16xf32>
    %ge3A_247 = arith.constant 0.000000e+00 : f32
    %ge3A_248 = vector.broadcast %ge3A_247 : f32 to vector<16xf32>
    %ge3A_249 = arith.cmpf oge, %add3A_246, %ge3A_248 : vector<16xf32>
    %mul3A_250 = arith.constant 2.000000e-01 : f32
    %mul3A_251 = vector.broadcast %mul3A_250 : f32 to vector<16xf32>
    %mul3A_252 = arith.mulf %mul3A_251, %add3A_246 : vector<16xf32>
    %select_n3A_253 = arith.select %ge3A_249, %add3A_246, %mul3A_252 : vector<16xi1>, vector<16xf32>
    %sub3A_254 = arith.subf %select_n3A_253, %get3A_104 : vector<16xf32>
    %exp3A_255 = math.exp %sub3A_254 : vector<16xf32>
    %swap3A_256 = arith.constant 112 : index
    %swap3A_257 = tpu.vector_load %arg15[%swap3A_256] {strides = array<i32>} : memref<128xf32, #tpu.memory_space<vmem>>, vector<16xf32>,
    %swap3A_258 = vector.shape_cast %swap3A_257 : vector<16xf32> to vector<16xf32>
    %swap3A_259 = vector.shape_cast %exp3A_255 : vector<16xf32> to vector<16xf32>
    tpu.vector_store %arg15[%swap3A_256], %swap3A_259 {strides = array<i32>} : memref<128xf32, #tpu.memory_space<vmem>>, vector<16xf32>,
    %parallel_loop3A = arith.constant 0 : i32
    %parallel_loop3A_260 = arith.constant 128 : i32
    %parallel_loop3A_261 = arith.constant 1 : i32
    scf.for %parallel_loop3A_291 = %parallel_loop3A to %parallel_loop3A_260 step %parallel_loop3A_261  : i32 {
      %parallel_loop3A_292 = arith.constant 16 : i32
      %parallel_loop3A_293 = arith.divsi %parallel_loop3A_291, %parallel_loop3A_292 : i32
      %parallel_loop3A_294 = arith.constant 0 : i32
      %parallel_loop3A_295 = arith.cmpi sgt, %parallel_loop3A_291, %parallel_loop3A_294 : i32
      %parallel_loop3A_296 = arith.extui %parallel_loop3A_295 : i1 to i32
      %parallel_loop3A_297 = arith.constant 0 : i32
      %parallel_loop3A_298 = arith.cmpi slt, %parallel_loop3A_291, %parallel_loop3A_297 : i32
      %parallel_loop3A_299 = arith.extui %parallel_loop3A_298 : i1 to i32
      %parallel_loop3A_300 = arith.subi %parallel_loop3A_296, %parallel_loop3A_299 : i32
      %parallel_loop3A_301 = arith.constant 0 : i32
      %parallel_loop3A_302 = arith.cmpi sgt, %parallel_loop3A_292, %parallel_loop3A_301 : i32
      %parallel_loop3A_303 = arith.extui %parallel_loop3A_302 : i1 to i32
      %parallel_loop3A_304 = arith.constant 0 : i32
      %parallel_loop3A_305 = arith.cmpi slt, %parallel_loop3A_292, %parallel_loop3A_304 : i32
      %parallel_loop3A_306 = arith.extui %parallel_loop3A_305 : i1 to i32
      %parallel_loop3A_307 = arith.subi %parallel_loop3A_303, %parallel_loop3A_306 : i32
      %parallel_loop3A_308 = arith.cmpi ne, %parallel_loop3A_300, %parallel_loop3A_307 : i32
      %parallel_loop3A_309 = arith.remsi %parallel_loop3A_291, %parallel_loop3A_292 : i32
      %parallel_loop3A_310 = arith.constant 0 : i32
      %parallel_loop3A_311 = arith.cmpi ne, %parallel_loop3A_309, %parallel_loop3A_310 : i32
      %parallel_loop3A_312 = arith.andi %parallel_loop3A_308, %parallel_loop3A_311 : i1
      %parallel_loop3A_313 = arith.constant 1 : i32
      %parallel_loop3A_314 = arith.subi %parallel_loop3A_293, %parallel_loop3A_313 : i32
      %parallel_loop3A_315 = arith.select %parallel_loop3A_312, %parallel_loop3A_314, %parallel_loop3A_293 : i32
      %parallel_loop3A_316 = arith.constant 16 : i32
      %parallel_loop3A_317 = arith.muli %parallel_loop3A_315, %parallel_loop3A_316 : i32
      %parallel_loop3A_318 = arith.index_cast %parallel_loop3A_317 : i32 to index
      %parallel_loop3A_319 = tpu.vector_load %arg15[%parallel_loop3A_318] {strides = array<i32>} : memref<128xf32, #tpu.memory_space<vmem>>, vector<16xf32>,
      %parallel_loop3A_320 = vector.shape_cast %parallel_loop3A_319 : vector<16xf32> to vector<16xf32>
      %parallel_loop3A_321 = arith.subi %parallel_loop3A_291, %parallel_loop3A_317 : i32
      %parallel_loop3A_322 = vector.broadcast %parallel_loop3A_321 : i32 to vector<16xi32>
      %parallel_loop3A_323 = arith.constant 0 : i32
      %parallel_loop3A_324 = vector.broadcast %parallel_loop3A_323 : i32 to vector<16xi32>
      %parallel_loop3A_325 = arith.cmpi slt, %parallel_loop3A_322, %parallel_loop3A_324 : vector<16xi32>
      %parallel_loop3A_326 = arith.constant 16 : i32
      %parallel_loop3A_327 = vector.broadcast %parallel_loop3A_326 : i32 to vector<16xi32>
      %parallel_loop3A_328 = arith.addi %parallel_loop3A_322, %parallel_loop3A_327 : vector<16xi32>
      %parallel_loop3A_329 = arith.select %parallel_loop3A_325, %parallel_loop3A_328, %parallel_loop3A_322 : vector<16xi1>, vector<16xi32>
      %parallel_loop3A_330 = vector.shape_cast %parallel_loop3A_329 : vector<16xi32> to vector<16x1xi32>
      %parallel_loop3A_331 = vector.shape_cast %parallel_loop3A_330 : vector<16x1xi32> to vector<16xi32>
      %parallel_loop3A_332 = tpu.dynamic_gather %parallel_loop3A_320[%parallel_loop3A_331] in [0] : vector<16xf32>, vector<16xi32> -> vector<16xf32>
      %parallel_loop3A_333 = arith.index_cast %parallel_loop3A_291 : i32 to index
      %parallel_loop3A_334 = arith.constant 0 : index
      %parallel_loop3A_335 = tpu.vector_load %arg9[%parallel_loop3A_333, %parallel_loop3A_334] {strides = array<i32>} : memref<128x64xf32, #tpu.memory_space<vmem>>, vector<1x16xf32>,
      %parallel_loop3A_336 = vector.shape_cast %parallel_loop3A_335 : vector<1x16xf32> to vector<16xf32>
      %parallel_loop3A_337 = arith.mulf %parallel_loop3A_336, %parallel_loop3A_332 : vector<16xf32>
      %parallel_loop3A_338 = arith.index_cast %parallel_loop3A_291 : i32 to index
      %parallel_loop3A_339 = arith.constant 0 : index
      %parallel_loop3A_340 = tpu.vector_load %arg16[%parallel_loop3A_338, %parallel_loop3A_339] {strides = array<i32>} : memref<128x80xf32, #tpu.memory_space<vmem>>, vector<1x16xf32>,
      %parallel_loop3A_341 = vector.shape_cast %parallel_loop3A_340 : vector<1x16xf32> to vector<16xf32>
      %parallel_loop3A_342 = vector.shape_cast %parallel_loop3A_337 : vector<16xf32> to vector<1x16xf32>
      tpu.vector_store %arg16[%parallel_loop3A_338, %parallel_loop3A_339], %parallel_loop3A_342 {strides = array<i32>} : memref<128x80xf32, #tpu.memory_space<vmem>>, vector<1x16xf32>,
      %parallel_loop3A_343 = arith.index_cast %parallel_loop3A_291 : i32 to index
      %parallel_loop3A_344 = arith.constant 16 : index
      %parallel_loop3A_345 = tpu.vector_load %arg9[%parallel_loop3A_343, %parallel_loop3A_344] {strides = array<i32>} : memref<128x64xf32, #tpu.memory_space<vmem>>, vector<1x16xf32>,
      %parallel_loop3A_346 = vector.shape_cast %parallel_loop3A_345 : vector<1x16xf32> to vector<16xf32>
      %parallel_loop3A_347 = arith.mulf %parallel_loop3A_346, %parallel_loop3A_332 : vector<16xf32>
      %parallel_loop3A_348 = arith.index_cast %parallel_loop3A_291 : i32 to index
      %parallel_loop3A_349 = arith.constant 16 : index
      %parallel_loop3A_350 = tpu.vector_load %arg16[%parallel_loop3A_348, %parallel_loop3A_349] {strides = array<i32>} : memref<128x80xf32, #tpu.memory_space<vmem>>, vector<1x16xf32>,
      %parallel_loop3A_351 = vector.shape_cast %parallel_loop3A_350 : vector<1x16xf32> to vector<16xf32>
      %parallel_loop3A_352 = vector.shape_cast %parallel_loop3A_347 : vector<16xf32> to vector<1x16xf32>
      tpu.vector_store %arg16[%parallel_loop3A_348, %parallel_loop3A_349], %parallel_loop3A_352 {strides = array<i32>} : memref<128x80xf32, #tpu.memory_space<vmem>>, vector<1x16xf32>,
      %parallel_loop3A_353 = arith.index_cast %parallel_loop3A_291 : i32 to index
      %parallel_loop3A_354 = arith.constant 32 : index
      %parallel_loop3A_355 = tpu.vector_load %arg9[%parallel_loop3A_353, %parallel_loop3A_354] {strides = array<i32>} : memref<128x64xf32, #tpu.memory_space<vmem>>, vector<1x16xf32>,
      %parallel_loop3A_356 = vector.shape_cast %parallel_loop3A_355 : vector<1x16xf32> to vector<16xf32>
      %parallel_loop3A_357 = arith.mulf %parallel_loop3A_356, %parallel_loop3A_332 : vector<16xf32>
      %parallel_loop3A_358 = arith.index_cast %parallel_loop3A_291 : i32 to index
      %parallel_loop3A_359 = arith.constant 32 : index
      %parallel_loop3A_360 = tpu.vector_load %arg16[%parallel_loop3A_358, %parallel_loop3A_359] {strides = array<i32>} : memref<128x80xf32, #tpu.memory_space<vmem>>, vector<1x16xf32>,
      %parallel_loop3A_361 = vector.shape_cast %parallel_loop3A_360 : vector<1x16xf32> to vector<16xf32>
      %parallel_loop3A_362 = vector.shape_cast %parallel_loop3A_357 : vector<16xf32> to vector<1x16xf32>
      tpu.vector_store %arg16[%parallel_loop3A_358, %parallel_loop3A_359], %parallel_loop3A_362 {strides = array<i32>} : memref<128x80xf32, #tpu.memory_space<vmem>>, vector<1x16xf32>,
      %parallel_loop3A_363 = arith.index_cast %parallel_loop3A_291 : i32 to index
      %parallel_loop3A_364 = arith.constant 48 : index
      %parallel_loop3A_365 = tpu.vector_load %arg9[%parallel_loop3A_363, %parallel_loop3A_364] {strides = array<i32>} : memref<128x64xf32, #tpu.memory_space<vmem>>, vector<1x16xf32>,
      %parallel_loop3A_366 = vector.shape_cast %parallel_loop3A_365 : vector<1x16xf32> to vector<16xf32>
      %parallel_loop3A_367 = arith.mulf %parallel_loop3A_366, %parallel_loop3A_332 : vector<16xf32>
      %parallel_loop3A_368 = arith.index_cast %parallel_loop3A_291 : i32 to index
      %parallel_loop3A_369 = arith.constant 48 : index
      %parallel_loop3A_370 = tpu.vector_load %arg16[%parallel_loop3A_368, %parallel_loop3A_369] {strides = array<i32>} : memref<128x80xf32, #tpu.memory_space<vmem>>, vector<1x16xf32>,
      %parallel_loop3A_371 = vector.shape_cast %parallel_loop3A_370 : vector<1x16xf32> to vector<16xf32>
      %parallel_loop3A_372 = vector.shape_cast %parallel_loop3A_367 : vector<16xf32> to vector<1x16xf32>
      tpu.vector_store %arg16[%parallel_loop3A_368, %parallel_loop3A_369], %parallel_loop3A_372 {strides = array<i32>} : memref<128x80xf32, #tpu.memory_space<vmem>>, vector<1x16xf32>,
      %parallel_loop3A_373 = arith.constant 0 : i32
      %parallel_loop3A_374 = vector.broadcast %parallel_loop3A_373 : i32 to vector<16xi32>
      %parallel_loop3A_375 = arith.cmpi eq, %iota3A, %parallel_loop3A_374 : vector<16xi32>
      %parallel_loop3A_376 = arith.constant 0.000000e+00 : f32
      %parallel_loop3A_377 = vector.broadcast %parallel_loop3A_376 : f32 to vector<16xf32>
      %parallel_loop3A_378 = arith.select %parallel_loop3A_375, %parallel_loop3A_332, %parallel_loop3A_377 : vector<16xi1>, vector<16xf32>
      %parallel_loop3A_379 = arith.index_cast %parallel_loop3A_291 : i32 to index
      %parallel_loop3A_380 = arith.constant 64 : index
      %parallel_loop3A_381 = tpu.vector_load %arg16[%parallel_loop3A_379, %parallel_loop3A_380] {strides = array<i32>} : memref<128x80xf32, #tpu.memory_space<vmem>>, vector<1x16xf32>,
      %parallel_loop3A_382 = vector.shape_cast %parallel_loop3A_381 : vector<1x16xf32> to vector<16xf32>
      %parallel_loop3A_383 = vector.shape_cast %parallel_loop3A_378 : vector<16xf32> to vector<1x16xf32>
      tpu.vector_store %arg16[%parallel_loop3A_379, %parallel_loop3A_380], %parallel_loop3A_383 {strides = array<i32>} : memref<128x80xf32, #tpu.memory_space<vmem>>, vector<1x16xf32>,
    } {sc.loop_unroll_factor = 4 : i64, sc.parallel_access}
    %dma_start3A_262 = arith.constant 80 : i32
    %dma_start3A_263 = arith.constant 1 : i32
    %dma_start3A_264 = arith.constant 0 : i32
    %dma_start3A_265 = tpu.memref_slice %arg8[%dma_start3A_262, %dma_start3A_263, %dma_start3A_264] : memref<81x2x128xi32, #tpu.memory_space<vmem>> -> memref<1x1x128xi32, #tpu.memory_space<vmem>>
    %dma_start3A_266 = tpu.memref_squeeze %dma_start3A_265 : memref<1x1x128xi32, #tpu.memory_space<vmem>> -> memref<128xi32, #tpu.memory_space<vmem>>
    %dma_start3A_267 = arith.constant 0 : i32
    %dma_start3A_268 = arith.constant 0 : i32
    %dma_start3A_269 = tpu.memref_slice %arg19[%dma_start3A_267, %dma_start3A_268] : memref<10240x80xf32, #tpu.memory_space<vmem_shared>> -> memref<10240x80xf32, #tpu.memory_space<vmem_shared>>
    tpu.enqueue_indirect_dma source(%arg16 : memref<128x80xf32, #tpu.memory_space<vmem>>) target(%dma_start3A_269 : memref<10240x80xf32, #tpu.memory_space<vmem_shared>>) offsets(%dma_start3A_266 : memref<128xi32, #tpu.memory_space<vmem>>) semaphore(%arg22 : memref<!tpu.dma_semaphore, #tpu.memory_space<semaphore_mem>>) {add = true}
    %dma_wait3A_270 = arith.constant 0 : i32
    %dma_wait3A_271 = arith.constant 1 : i32
    %dma_wait3A_272 = arith.constant 0 : i32
    %dma_wait3A_273 = tpu.memref_slice %arg8[%dma_wait3A_270, %dma_wait3A_271, %dma_wait3A_272] : memref<81x2x128xi32, #tpu.memory_space<vmem>> -> memref<1x1x128xi32, #tpu.memory_space<vmem>>
    %dma_wait3A_274 = tpu.memref_squeeze %dma_wait3A_273 : memref<1x1x128xi32, #tpu.memory_space<vmem>> -> memref<128xi32, #tpu.memory_space<vmem>>
    %dma_wait3A_275 = arith.constant 0 : i32
    %dma_wait3A_276 = arith.constant 0 : i32
    %dma_wait3A_277 = tpu.memref_slice %arg19[%dma_wait3A_275, %dma_wait3A_276] : memref<10240x80xf32, #tpu.memory_space<vmem_shared>> -> memref<10240x80xf32, #tpu.memory_space<vmem_shared>>
    tpu.wait_indirect_dma semaphore(%arg23 : memref<!tpu.dma_semaphore, #tpu.memory_space<semaphore_mem>>) src(%arg17 : memref<128x80xf32, #tpu.memory_space<vmem>>) dst(%dma_wait3A_277 : memref<10240x80xf32, #tpu.memory_space<vmem_shared>>)
    %dma_wait3A_278 = arith.constant 0 : i32
    %dma_wait3A_279 = arith.constant 1 : i32
    %dma_wait3A_280 = arith.constant 0 : i32
    %dma_wait3A_281 = tpu.memref_slice %arg8[%dma_wait3A_278, %dma_wait3A_279, %dma_wait3A_280] : memref<81x2x128xi32, #tpu.memory_space<vmem>> -> memref<1x1x128xi32, #tpu.memory_space<vmem>>
    %dma_wait3A_282 = tpu.memref_squeeze %dma_wait3A_281 : memref<1x1x128xi32, #tpu.memory_space<vmem>> -> memref<128xi32, #tpu.memory_space<vmem>>
    %dma_wait3A_283 = arith.constant 0 : i32
    %dma_wait3A_284 = arith.constant 0 : i32
    %dma_wait3A_285 = tpu.memref_slice %arg19[%dma_wait3A_283, %dma_wait3A_284] : memref<10240x80xf32, #tpu.memory_space<vmem_shared>> -> memref<10240x80xf32, #tpu.memory_space<vmem_shared>>
    tpu.wait_indirect_dma semaphore(%arg22 : memref<!tpu.dma_semaphore, #tpu.memory_space<semaphore_mem>>) src(%arg16 : memref<128x80xf32, #tpu.memory_space<vmem>>) dst(%dma_wait3A_285 : memref<10240x80xf32, #tpu.memory_space<vmem_shared>>)
    %barrier3A_286 = arith.constant 0 : index
    tpu.barrier barrier_id(%barrier3A_286)
    %mul3A_287 = arith.constant 640 : i32
    %mul3A_288 = arith.muli %arg1, %mul3A_287 : i32
    %mul3A_289 = arith.constant 640 : i32
    %mul3A_290 = arith.muli %arg1, %mul3A_289 : i32
    "tpu.region"() ({
      %run_scoped3A = tpu.sem_alloc : memref<!tpu.dma_semaphore, #tpu.memory_space<semaphore_mem>>
      %dma_start3A_291 = arith.constant 0 : i32
      %dma_start3A_292 = tpu.memref_slice %arg7[%arg0, %mul3A_290, %dma_start3A_291] : memref<2x10240x80xf32, #tpu.memory_space<hbm>> -> memref<1x640x80xf32, #tpu.memory_space<hbm>>
      %dma_start3A_293 = tpu.memref_squeeze %dma_start3A_292 : memref<1x640x80xf32, #tpu.memory_space<hbm>> -> memref<640x80xf32, #tpu.memory_space<hbm>>
      %dma_start3A_294 = arith.constant 0 : i32
      %dma_start3A_295 = tpu.memref_slice %arg19[%mul3A_288, %dma_start3A_294] : memref<10240x80xf32, #tpu.memory_space<vmem_shared>> -> memref<640x80xf32, #tpu.memory_space<vmem_shared>>
      tpu.enqueue_dma source(%dma_start3A_295 : memref<640x80xf32, #tpu.memory_space<vmem_shared>>) target(%dma_start3A_293 : memref<640x80xf32, #tpu.memory_space<hbm>>) target_semaphore(%run_scoped3A : memref<!tpu.dma_semaphore, #tpu.memory_space<semaphore_mem>>)
      %dma_wait3A_296 = arith.constant 0 : i32
      %dma_wait3A_297 = tpu.memref_slice %arg7[%arg0, %mul3A_290, %dma_wait3A_296] : memref<2x10240x80xf32, #tpu.memory_space<hbm>> -> memref<1x640x80xf32, #tpu.memory_space<hbm>>
      %dma_wait3A_298 = tpu.memref_squeeze %dma_wait3A_297 : memref<1x640x80xf32, #tpu.memory_space<hbm>> -> memref<640x80xf32, #tpu.memory_space<hbm>>
      %dma_wait3A_299 = arith.constant 0 : i32
      %dma_wait3A_300 = tpu.memref_slice %arg19[%mul3A_288, %dma_wait3A_299] : memref<10240x80xf32, #tpu.memory_space<vmem_shared>> -> memref<640x80xf32, #tpu.memory_space<vmem_shared>>
      tpu.wait_dma2 semaphore(%run_scoped3A : memref<!tpu.dma_semaphore, #tpu.memory_space<semaphore_mem>>) src(%dma_wait3A_300 : memref<640x80xf32, #tpu.memory_space<vmem_shared>>) dst(%dma_wait3A_298 : memref<640x80xf32, #tpu.memory_space<hbm>>)
      tpu.yield
    }) : () -> ()
    return
  }
}

module attributes {stable_mosaic.version = 14 : i64} {
  func.func @_encoder_body(%arg0: i32, %arg1: memref<512x128xf32, #tpu.memory_space<vmem>>, %arg2: memref<128x128xf32, #tpu.memory_space<vmem>>, %arg3: memref<1x128xf32, #tpu.memory_space<vmem>>, %arg4: memref<128x64xf32, #tpu.memory_space<vmem>>, %arg5: memref<64x1xf32, #tpu.memory_space<vmem>>, %arg6: memref<64x1xf32, #tpu.memory_space<vmem>>, %arg7: memref<512x64xf32, #tpu.memory_space<vmem>>, %arg8: memref<512x1xf32, #tpu.memory_space<vmem>>, %arg9: memref<512x1xf32, #tpu.memory_space<vmem>>, %arg10: memref<1x1xf32, #tpu.memory_space<vmem>>, %arg11: memref<1x1xf32, #tpu.memory_space<vmem>>) attributes {dimension_semantics = [#tpu.dimension_semantics<arbitrary>], iteration_bounds = array<i64: 20>, scalar_prefetch = 0 : i64, scratch_operands = 0 : i64, tpu.core_type = #tpu.core_type<tc>, window_params = [{transform_indices = @transform_0, window_bounds = array<i64: 512, 128>}, {pipeline_mode = #tpu.pipeline_mode<synchronous>, transform_indices = @transform_1, window_bounds = array<i64: 128, 128>}, {pipeline_mode = #tpu.pipeline_mode<synchronous>, transform_indices = @transform_2, window_bounds = array<i64: 1, 128>}, {pipeline_mode = #tpu.pipeline_mode<synchronous>, transform_indices = @transform_3, window_bounds = array<i64: 128, 64>}, {pipeline_mode = #tpu.pipeline_mode<synchronous>, transform_indices = @transform_4, window_bounds = array<i64: 64, 1>}, {pipeline_mode = #tpu.pipeline_mode<synchronous>, transform_indices = @transform_5, window_bounds = array<i64: 64, 1>}, {transform_indices = @transform_6, window_bounds = array<i64: 512, 64>}, {transform_indices = @transform_7, window_bounds = array<i64: 512, 1>}, {transform_indices = @transform_8, window_bounds = array<i64: 512, 1>}, {pipeline_mode = #tpu.pipeline_mode<synchronous>, transform_indices = @transform_9, window_bounds = array<i64: 1, 1>}, {pipeline_mode = #tpu.pipeline_mode<synchronous>, transform_indices = @transform_10, window_bounds = array<i64: 1, 1>}]} {
    %get3A = arith.constant 0 : index
    %get3A_0 = arith.constant 0 : index
    %get3A_1 = vector.load %arg1[%get3A, %get3A_0] : memref<512x128xf32, #tpu.memory_space<vmem>>, vector<512x128xf32>
    %get3A_2 = arith.constant 0 : index
    %get3A_3 = arith.constant 0 : index
    %get3A_4 = vector.load %arg2[%get3A_2, %get3A_3] : memref<128x128xf32, #tpu.memory_space<vmem>>, vector<128x128xf32>
    %dot_general3A = arith.constant dense<0.000000e+00> : vector<512x128xf32>
    %dot_general3A_5 = tpu.matmul %get3A_1, %get3A_4, %dot_general3A {dimension_numbers = #tpu.dot_dimension_numbers<[1], [0], [0], [1], [0, 0, 1, 1], [], []>, transpose_lhs_hint = false} : vector<512x128xf32>, vector<128x128xf32>, vector<512x128xf32> -> vector<512x128xf32>
    %get3A_6 = arith.constant 0 : index
    %get3A_7 = arith.constant 0 : index
    %get3A_8 = vector.load %arg3[%get3A_6, %get3A_7] : memref<1x128xf32, #tpu.memory_space<vmem>>, vector<1x128xf32>
    %add3A = vector.broadcast %get3A_8 : vector<1x128xf32> to vector<512x128xf32>
    %add3A_9 = arith.addf %dot_general3A_5, %add3A : vector<512x128xf32>
    %max3A = arith.constant 0.000000e+00 : f32
    %max3A_10 = vector.broadcast %max3A : f32 to vector<512x128xf32>
    %max3A_11 = arith.maximumf %add3A_9, %max3A_10 : vector<512x128xf32>
    %get3A_12 = arith.constant 0 : index
    %get3A_13 = arith.constant 0 : index
    %get3A_14 = vector.load %arg4[%get3A_12, %get3A_13] : memref<128x64xf32, #tpu.memory_space<vmem>>, vector<128x64xf32>
    %dot_general3A_15 = arith.constant dense<0.000000e+00> : vector<512x64xf32>
    %dot_general3A_16 = tpu.matmul %max3A_11, %get3A_14, %dot_general3A_15 {dimension_numbers = #tpu.dot_dimension_numbers<[1], [0], [0], [1], [0, 0, 1, 1], [], []>, transpose_lhs_hint = false} : vector<512x128xf32>, vector<128x64xf32>, vector<512x64xf32> -> vector<512x64xf32>
    %swap3A = arith.constant 0 : index
    %swap3A_17 = arith.constant 0 : index
    %swap3A_18 = vector.load %arg7[%swap3A, %swap3A_17] : memref<512x64xf32, #tpu.memory_space<vmem>>, vector<512x64xf32>
    tpu.vector_store %arg7[%swap3A, %swap3A_17], %dot_general3A_16 {strides = array<i32>} : memref<512x64xf32, #tpu.memory_space<vmem>>, vector<512x64xf32>,
    %get3A_19 = arith.constant 0 : index
    %get3A_20 = arith.constant 0 : index
    %get3A_21 = vector.load %arg5[%get3A_19, %get3A_20] : memref<64x1xf32, #tpu.memory_space<vmem>>, vector<64x1xf32>
    %dot_general3A_22 = arith.constant dense<0.000000e+00> : vector<512x1xf32>
    %dot_general3A_23 = tpu.matmul %dot_general3A_16, %get3A_21, %dot_general3A_22 {dimension_numbers = #tpu.dot_dimension_numbers<[1], [0], [0], [1], [0, 0, 1, 1], [], []>, transpose_lhs_hint = false} : vector<512x64xf32>, vector<64x1xf32>, vector<512x1xf32> -> vector<512x1xf32>
    %get3A_24 = arith.constant 0 : index
    %get3A_25 = arith.constant 0 : index
    %get3A_26 = vector.load %arg6[%get3A_24, %get3A_25] : memref<64x1xf32, #tpu.memory_space<vmem>>, vector<64x1xf32>
    %dot_general3A_27 = arith.constant dense<0.000000e+00> : vector<512x1xf32>
    %dot_general3A_28 = tpu.matmul %dot_general3A_16, %get3A_26, %dot_general3A_27 {dimension_numbers = #tpu.dot_dimension_numbers<[1], [0], [0], [1], [0, 0, 1, 1], [], []>, transpose_lhs_hint = false} : vector<512x64xf32>, vector<64x1xf32>, vector<512x1xf32> -> vector<512x1xf32>
    %swap3A_29 = arith.constant 0 : index
    %swap3A_30 = arith.constant 0 : index
    %swap3A_31 = vector.load %arg8[%swap3A_29, %swap3A_30] : memref<512x1xf32, #tpu.memory_space<vmem>>, vector<512x1xf32>
    tpu.vector_store %arg8[%swap3A_29, %swap3A_30], %dot_general3A_23 {strides = array<i32>} : memref<512x1xf32, #tpu.memory_space<vmem>>, vector<512x1xf32>,
    %swap3A_32 = arith.constant 0 : index
    %swap3A_33 = arith.constant 0 : index
    %swap3A_34 = vector.load %arg9[%swap3A_32, %swap3A_33] : memref<512x1xf32, #tpu.memory_space<vmem>>, vector<512x1xf32>
    tpu.vector_store %arg9[%swap3A_32, %swap3A_33], %dot_general3A_28 {strides = array<i32>} : memref<512x1xf32, #tpu.memory_space<vmem>>, vector<512x1xf32>,
    %eq3A = arith.constant 0 : i32
    %eq3A_35 = arith.cmpi eq, %arg0, %eq3A : i32
    %convert_element_type3A = arith.extui %eq3A_35 : i1 to i32
    %cond3A = arith.constant 0 : i32
    %cond3A_36 = arith.cmpi ne, %convert_element_type3A, %cond3A : i32
    scf.if %cond3A_36 {
      %broadcast_in_dim3A = arith.constant -1.000000e+30 : f32
      %broadcast_in_dim3A_62 = vector.broadcast %broadcast_in_dim3A : f32 to vector<1x1xf32>
      %swap3A_63 = arith.constant 0 : index
      %swap3A_64 = arith.constant 0 : index
      %swap3A_65 = vector.load %arg10[%swap3A_63, %swap3A_64] : memref<1x1xf32, #tpu.memory_space<vmem>>, vector<1x1xf32>
      tpu.vector_store %arg10[%swap3A_63, %swap3A_64], %broadcast_in_dim3A_62 {strides = array<i32>} : memref<1x1xf32, #tpu.memory_space<vmem>>, vector<1x1xf32>,
      %broadcast_in_dim3A_66 = arith.constant -1.000000e+30 : f32
      %broadcast_in_dim3A_67 = vector.broadcast %broadcast_in_dim3A_66 : f32 to vector<1x1xf32>
      %swap3A_68 = arith.constant 0 : index
      %swap3A_69 = arith.constant 0 : index
      %swap3A_70 = vector.load %arg11[%swap3A_68, %swap3A_69] : memref<1x1xf32, #tpu.memory_space<vmem>>, vector<1x1xf32>
      tpu.vector_store %arg11[%swap3A_68, %swap3A_69], %broadcast_in_dim3A_67 {strides = array<i32>} : memref<1x1xf32, #tpu.memory_space<vmem>>, vector<1x1xf32>,
    } else {
    }
    %get3A_37 = arith.constant 0 : index
    %get3A_38 = arith.constant 0 : index
    %get3A_39 = vector.load %arg10[%get3A_37, %get3A_38] : memref<1x1xf32, #tpu.memory_space<vmem>>, vector<1x1xf32>
    %reduce_max3A = vector.shape_cast %dot_general3A_23 : vector<512x1xf32> to vector<1x512x1xf32>
    %reduce_max3A_40 = arith.constant dense<0xFF800000> : vector<1xf32>
    %reduce_max3A_41 = vector.multi_reduction <maximumf>, %reduce_max3A, %reduce_max3A_40 [1, 2] : vector<1x512x1xf32> to vector<1xf32>
    %reduce_max3A_42 = vector.shape_cast %reduce_max3A_41 : vector<1xf32> to vector<1x1x1xf32>
    %reduce_max3A_43 = vector.extract %reduce_max3A_42[0, 0, 0] : f32 from vector<1x1x1xf32>
    %max3A_44 = vector.broadcast %reduce_max3A_43 : f32 to vector<1x1xf32>
    %max3A_45 = arith.maximumf %get3A_39, %max3A_44 : vector<1x1xf32>
    %swap3A_46 = arith.constant 0 : index
    %swap3A_47 = arith.constant 0 : index
    %swap3A_48 = vector.load %arg10[%swap3A_46, %swap3A_47] : memref<1x1xf32, #tpu.memory_space<vmem>>, vector<1x1xf32>
    tpu.vector_store %arg10[%swap3A_46, %swap3A_47], %max3A_45 {strides = array<i32>} : memref<1x1xf32, #tpu.memory_space<vmem>>, vector<1x1xf32>,
    %get3A_49 = arith.constant 0 : index
    %get3A_50 = arith.constant 0 : index
    %get3A_51 = vector.load %arg11[%get3A_49, %get3A_50] : memref<1x1xf32, #tpu.memory_space<vmem>>, vector<1x1xf32>
    %reduce_max3A_52 = vector.shape_cast %dot_general3A_28 : vector<512x1xf32> to vector<1x512x1xf32>
    %reduce_max3A_53 = arith.constant dense<0xFF800000> : vector<1xf32>
    %reduce_max3A_54 = vector.multi_reduction <maximumf>, %reduce_max3A_52, %reduce_max3A_53 [1, 2] : vector<1x512x1xf32> to vector<1xf32>
    %reduce_max3A_55 = vector.shape_cast %reduce_max3A_54 : vector<1xf32> to vector<1x1x1xf32>
    %reduce_max3A_56 = vector.extract %reduce_max3A_55[0, 0, 0] : f32 from vector<1x1x1xf32>
    %max3A_57 = vector.broadcast %reduce_max3A_56 : f32 to vector<1x1xf32>
    %max3A_58 = arith.maximumf %get3A_51, %max3A_57 : vector<1x1xf32>
    %swap3A_59 = arith.constant 0 : index
    %swap3A_60 = arith.constant 0 : index
    %swap3A_61 = vector.load %arg11[%swap3A_59, %swap3A_60] : memref<1x1xf32, #tpu.memory_space<vmem>>, vector<1x1xf32>
    tpu.vector_store %arg11[%swap3A_59, %swap3A_60], %max3A_58 {strides = array<i32>} : memref<1x1xf32, #tpu.memory_space<vmem>>, vector<1x1xf32>,
    return
  }
  func.func @transform_0(%arg0: i32) -> (i32, i32) {
    %c0_i32 = arith.constant 0 : i32
    %c0_i32_0 = arith.constant 0 : i32
    return %arg0, %c0_i32 : i32, i32
  }
  func.func @transform_1(%arg0: i32) -> (i32, i32) {
    %c0_i32 = arith.constant 0 : i32
    %c0_i32_0 = arith.constant 0 : i32
    %c0_i32_1 = arith.constant 0 : i32
    return %c0_i32, %c0_i32_0 : i32, i32
  }
  func.func @transform_2(%arg0: i32) -> (i32, i32) {
    %c0_i32 = arith.constant 0 : i32
    %c0_i32_0 = arith.constant 0 : i32
    %c0_i32_1 = arith.constant 0 : i32
    return %c0_i32, %c0_i32_0 : i32, i32
  }
  func.func @transform_3(%arg0: i32) -> (i32, i32) {
    %c0_i32 = arith.constant 0 : i32
    %c0_i32_0 = arith.constant 0 : i32
    %c0_i32_1 = arith.constant 0 : i32
    return %c0_i32, %c0_i32_0 : i32, i32
  }
  func.func @transform_4(%arg0: i32) -> (i32, i32) {
    %c0_i32 = arith.constant 0 : i32
    %c0_i32_0 = arith.constant 0 : i32
    %c0_i32_1 = arith.constant 0 : i32
    return %c0_i32, %c0_i32_0 : i32, i32
  }
  func.func @transform_5(%arg0: i32) -> (i32, i32) {
    %c0_i32 = arith.constant 0 : i32
    %c0_i32_0 = arith.constant 0 : i32
    %c0_i32_1 = arith.constant 0 : i32
    return %c0_i32, %c0_i32_0 : i32, i32
  }
  func.func @transform_6(%arg0: i32) -> (i32, i32) {
    %c0_i32 = arith.constant 0 : i32
    %c0_i32_0 = arith.constant 0 : i32
    return %arg0, %c0_i32 : i32, i32
  }
  func.func @transform_7(%arg0: i32) -> (i32, i32) {
    %c0_i32 = arith.constant 0 : i32
    %c0_i32_0 = arith.constant 0 : i32
    return %arg0, %c0_i32 : i32, i32
  }
  func.func @transform_8(%arg0: i32) -> (i32, i32) {
    %c0_i32 = arith.constant 0 : i32
    %c0_i32_0 = arith.constant 0 : i32
    return %arg0, %c0_i32 : i32, i32
  }
  func.func @transform_9(%arg0: i32) -> (i32, i32) {
    %c0_i32 = arith.constant 0 : i32
    %c0_i32_0 = arith.constant 0 : i32
    %c0_i32_1 = arith.constant 0 : i32
    return %c0_i32, %c0_i32_0 : i32, i32
  }
  func.func @transform_10(%arg0: i32) -> (i32, i32) {
    %c0_i32 = arith.constant 0 : i32
    %c0_i32_0 = arith.constant 0 : i32
    %c0_i32_1 = arith.constant 0 : i32
    return %c0_i32, %c0_i32_0 : i32, i32
  }
}

module attributes {stable_mosaic.version = 14 : i64} {
  func.func @_assemble_body(%arg0: i32, %arg1: memref<1x400x80xf32, #tpu.memory_space<vmem>>, %arg2: memref<1x400x80xf32, #tpu.memory_space<vmem>>, %arg3: memref<1x64xf32, #tpu.memory_space<vmem>>, %arg4: memref<400x64xf32, #tpu.memory_space<vmem>>) attributes {dimension_semantics = [#tpu.dimension_semantics<arbitrary>], iteration_bounds = array<i64: 25>, scalar_prefetch = 0 : i64, scratch_operands = 0 : i64, tpu.core_type = #tpu.core_type<tc>, window_params = [{transform_indices = @transform_0, window_bounds = array<i64: 1, 400, 80>}, {transform_indices = @transform_1, window_bounds = array<i64: 1, 400, 80>}, {pipeline_mode = #tpu.pipeline_mode<synchronous>, transform_indices = @transform_2, window_bounds = array<i64: 1, 64>}, {transform_indices = @transform_3, window_bounds = array<i64: 400, 64>}]} {
    %get3A = arith.constant 0 : index
    %get3A_0 = arith.constant 0 : index
    %get3A_1 = arith.constant 0 : index
    %get3A_2 = vector.load %arg1[%get3A, %get3A_0, %get3A_1] : memref<1x400x80xf32, #tpu.memory_space<vmem>>, vector<1x400x80xf32>
    %get3A_3 = vector.shape_cast %get3A_2 : vector<1x400x80xf32> to vector<400x80xf32>
    %get3A_4 = arith.constant 0 : index
    %get3A_5 = arith.constant 0 : index
    %get3A_6 = arith.constant 0 : index
    %get3A_7 = vector.load %arg2[%get3A_4, %get3A_5, %get3A_6] : memref<1x400x80xf32, #tpu.memory_space<vmem>>, vector<1x400x80xf32>
    %get3A_8 = vector.shape_cast %get3A_7 : vector<1x400x80xf32> to vector<400x80xf32>
    %add3A = arith.addf %get3A_3, %get3A_8 : vector<400x80xf32>
    %slice3A = vector.extract_strided_slice %add3A {offsets = [0, 0], sizes = [400, 64], strides = [1, 1]} : vector<400x80xf32> to vector<400x64xf32>
    %slice3A_9 = vector.extract_strided_slice %add3A {offsets = [0, 64], sizes = [400, 1], strides = [1, 1]} : vector<400x80xf32> to vector<400x1xf32>
    %div3A = vector.broadcast %slice3A_9 : vector<400x1xf32> to vector<400x64xf32>
    %div3A_10 = arith.divf %slice3A, %div3A : vector<400x64xf32>
    %get3A_11 = arith.constant 0 : index
    %get3A_12 = arith.constant 0 : index
    %get3A_13 = vector.load %arg3[%get3A_11, %get3A_12] : memref<1x64xf32, #tpu.memory_space<vmem>>, vector<1x64xf32>
    %add3A_14 = vector.broadcast %get3A_13 : vector<1x64xf32> to vector<400x64xf32>
    %add3A_15 = arith.addf %div3A_10, %add3A_14 : vector<400x64xf32>
    %swap3A = arith.constant 0 : index
    %swap3A_16 = arith.constant 0 : index
    %swap3A_17 = vector.load %arg4[%swap3A, %swap3A_16] : memref<400x64xf32, #tpu.memory_space<vmem>>, vector<400x64xf32>
    tpu.vector_store %arg4[%swap3A, %swap3A_16], %add3A_15 {strides = array<i32>} : memref<400x64xf32, #tpu.memory_space<vmem>>, vector<400x64xf32>,
    return
  }
  func.func @transform_0(%arg0: i32) -> (i32, i32, i32) {
    %c0_i32 = arith.constant 0 : i32
    %c0_i32_0 = arith.constant 0 : i32
    %c0_i32_1 = arith.constant 0 : i32
    return %c0_i32, %arg0, %c0_i32_0 : i32, i32, i32
  }
  func.func @transform_1(%arg0: i32) -> (i32, i32, i32) {
    %c1_i32 = arith.constant 1 : i32
    %c0_i32 = arith.constant 0 : i32
    %c0_i32_0 = arith.constant 0 : i32
    return %c1_i32, %arg0, %c0_i32 : i32, i32, i32
  }
  func.func @transform_2(%arg0: i32) -> (i32, i32) {
    %c0_i32 = arith.constant 0 : i32
    %c0_i32_0 = arith.constant 0 : i32
    %c0_i32_1 = arith.constant 0 : i32
    return %c0_i32, %c0_i32_0 : i32, i32
  }
  func.func @transform_3(%arg0: i32) -> (i32, i32) {
    %c0_i32 = arith.constant 0 : i32
    %c0_i32_0 = arith.constant 0 : i32
    return %arg0, %c0_i32 : i32, i32
  }
}

module attributes {stable_mosaic.version = 14 : i64} {
  func.func @_rec_body(%arg0: i32, %arg1: i32, %arg2: memref<1024x64xf32, #tpu.memory_space<vmem>>, %arg3: memref<2048x64xf32, #tpu.memory_space<vmem>>, %arg4: memref<1024x2048xf32, #tpu.memory_space<vmem>>) attributes {dimension_semantics = [#tpu.dimension_semantics<arbitrary>, #tpu.dimension_semantics<arbitrary>], iteration_bounds = array<i64: 10, 5>, scalar_prefetch = 0 : i64, scratch_operands = 0 : i64, tpu.core_type = #tpu.core_type<tc>, window_params = [{transform_indices = @transform_0, window_bounds = array<i64: 1024, 64>}, {transform_indices = @transform_1, window_bounds = array<i64: 2048, 64>}, {transform_indices = @transform_2, window_bounds = array<i64: 1024, 2048>}]} {
    %get3A = arith.constant 0 : index
    %get3A_0 = arith.constant 0 : index
    %get3A_1 = vector.load %arg2[%get3A, %get3A_0] : memref<1024x64xf32, #tpu.memory_space<vmem>>, vector<1024x64xf32>
    %get3A_2 = arith.constant 0 : index
    %get3A_3 = arith.constant 0 : index
    %get3A_4 = vector.load %arg3[%get3A_2, %get3A_3] : memref<2048x64xf32, #tpu.memory_space<vmem>>, vector<2048x64xf32>
    %dot_general3A = arith.constant dense<0.000000e+00> : vector<1024x2048xf32>
    %dot_general3A_5 = tpu.matmul %get3A_1, %get3A_4, %dot_general3A {dimension_numbers = #tpu.dot_dimension_numbers<[1], [1], [0], [0], [0, 0, 1, 0], [], []>, transpose_lhs_hint = false} : vector<1024x64xf32>, vector<2048x64xf32>, vector<1024x2048xf32> -> vector<1024x2048xf32>
    %logistic3A = arith.negf %dot_general3A_5 : vector<1024x2048xf32>
    %logistic3A_6 = math.exp %logistic3A : vector<1024x2048xf32>
    %logistic3A_7 = arith.constant 1.000000e+00 : f32
    %logistic3A_8 = vector.broadcast %logistic3A_7 : f32 to vector<1024x2048xf32>
    %logistic3A_9 = arith.addf %logistic3A_8, %logistic3A_6 : vector<1024x2048xf32>
    %logistic3A_10 = arith.divf %logistic3A_8, %logistic3A_9 : vector<1024x2048xf32>
    %swap3A = arith.constant 0 : index
    %swap3A_11 = arith.constant 0 : index
    %swap3A_12 = vector.load %arg4[%swap3A, %swap3A_11] : memref<1024x2048xf32, #tpu.memory_space<vmem>>, vector<1024x2048xf32>
    tpu.vector_store %arg4[%swap3A, %swap3A_11], %logistic3A_10 {strides = array<i32>} : memref<1024x2048xf32, #tpu.memory_space<vmem>>, vector<1024x2048xf32>,
    return
  }
  func.func @transform_0(%arg0: i32, %arg1: i32) -> (i32, i32) {
    %c0_i32 = arith.constant 0 : i32
    %c0_i32_0 = arith.constant 0 : i32
    return %arg0, %c0_i32 : i32, i32
  }
  func.func @transform_1(%arg0: i32, %arg1: i32) -> (i32, i32) {
    %c0_i32 = arith.constant 0 : i32
    %c0_i32_0 = arith.constant 0 : i32
    return %arg1, %c0_i32 : i32, i32
  }
  func.func @transform_2(%arg0: i32, %arg1: i32) -> (i32, i32) {
    %c0_i32 = arith.constant 0 : i32
    return %arg0, %arg1 : i32, i32
  }
}

</mosaic_0001>

<sc_bundles>
// kernel: kernel.6.cloned.1.call-start
scs
__scs_entry_jumppad:
0x0: {  	(pc) =	sbr.rel $0x88, $3  }
0x1: {  	(tag) =	ssettag $0x0;
	lr =	simm.s32 $0x1  }
0x2: {  	[smem:$0x3F99] =	sst lr;
	_ =	strace $0xD0000000  }
0x3: {  	_ = 	snop  }
0x4: {  	_ = 	snop  }
0x5: {  	_ = 	snop  }
0x6: {  	_ = 	snop  }
0x7: {  	_ = 	snop  }
__scs_overlays_trampoline_lowered:
0x8: {  	[smem:$0x3FA8] =	sst s0  }
0x9: {  	[smem:$0x3FA9] =	sst s1  }
0xa: {  	[smem:$0x3FAA] =	sst s2  }
0xb: {  	[smem:$0x3FAB] =	sst s3  }
0xc: {  	[smem:$0x3FAC] =	sst s4  }
0xd: {  	[smem:$0x3FAD] =	sst s5  }
0xe: {  	[smem:$0x3FAE] =	sst s6  }
0xf: {  	[smem:$0x3FAF] =	sst s7  }
0x10: {  	[smem:$0x3FB0] =	sst s8  }
0x11: {  	[smem:$0x3FB1] =	sst s9;
	s0 =	simm.s32 @!p0 $0x0  }
0x12: {  	s1 =	sld [smem:$0x3F97];
	s0 =	simm.s32 @p0 $0x1  }
0x13: {  	[smem:$0x3FB2] =	sst s0;
	s0 =	simm.s32 @!p1 $0x0  }
0x14: {  	s2 =	sld [smem:$0x3F96];
	s0 =	simm.s32 @p1 $0x1  }
0x15: {  	[smem:$0x3FB3] =	sst s0;
	s0 =	simm.s32 @!p2 $0x0  }
0x16: {  	s3 =	sld [smem:$0x3FDB];
	s0 =	simm.s32 @p2 $0x1  }
0x17: {  	s4 =	simm.s32 $0x1BF5;
	[smem:$0x3FB5] =	sst s0  }
0x18: {  	s0 =	sld [smem:$0x3F98];
	_ =	swait.ge [sflag:s4], $0x0  }
0x19: {  	s7 =	sld [smem:$0x3F99]  }
0x1a: {  	s8 =	sadd.s32 $0xFFFFE003, lr  }
0x1b: {  	s9 =	sadd.s32 $0xFFFFFEF7, lr;
	s5 =	simm.s32 $0xFFFFFFFF;
	p2 =	slt.u32 s8, $0xFFFFF086  }
0x1c: {  	p1 =	slt.u32 s9, $0xF7A;
	s5 =	simm.s32 @!p2 $0x0  }
0x1d: {  	s5 =	simm.s32 @p1 $0x1;
	p0 =	seq.s32 s7, s2  }
0x1e: {  	s7 =	smul.u32 @!p0 $0xF7A, s2;
	p2 =	seq.s32 @!p0 s5, $0x0  }
0x1f: {  	s9 =	smul.u32 $0xF7A, s1;
	s8 =	simm.s32 @!p0 $0x1BF5;
	p2 =	por !p2, p0  }
0x20: {  	[sflag:s8] =	ssyncset.s32 @!p0 $0xFFFFF086;
	s6 =	sadd.s32 @!p0 s3, s7;
	s7 =	simm.s32 @!p0 $0x108  }
0x21: {  	s3 =	sadd.s32 s3, s9;
	s6 =	sadd.s32 @!p0 $0x88, s6;
	s7 =	simm.s32 @p2 $0x1082  }
0x22: {  	[simem:s7], [sflag:s8] =	dma.local @!p0 [hbm:s6], $0xF7A  }
0x23: {  	s9 =	sor.u32 $0xD0000000, s2;
	s6 =	simm.s32 $0x108;
	_ =	swait.ge @!p0 [sflag:s8], $0x0  }
0x24: {  	s3 =	sadd.s32 $0x88, s3;
	s6 =	simm.s32 @!p1 $0x1082;
	[sflag:s4] =	ssyncset.s32 $0xFFFFF086  }
0x25: {  	[simem:s6], [sflag:s4] =	dma.local [hbm:s3], $0xF7A  }
0x26: {  	[smem:$0x3F99] =	sst s1;
	(tag) =	ssettag s2;
	_ =	strace s9  }
0x27: {  	s1 =	sld [smem:$0x3FA9]  }
0x28: {  	s2 =	sld [smem:$0x3FAA]  }
0x29: {  	s4 =	sld [smem:$0x3FAC]  }
0x2a: {  	p0 =	seq.s32 s5, $0x0;
	s5 =	sld [smem:$0x3FAD]  }
0x2b: {  	s6 =	sld [smem:$0x3FAE]  }
0x2c: {  	s7 =	sld [smem:$0x3FAF]  }
0x2d: {  	s3 =	simm.s32 $0x108;
	s8 =	sld [smem:$0x3FB0]  }
0x2e: {  	s3 =	simm.s32 @!p0 $0x1082;
	s9 =	sld [smem:$0x3FB1]  }
0x2f: {  	lr =	sadd.s32 s0, s3;
	s0 =	sld [smem:$0x3FA8]  }
0x30: {  	s3 =	sld [smem:$0x3FAB]  }
0x31: {  	[smem:$0x3FB4] =	sst s10  }
0x32: {  	s10 =	sld [smem:$0x3FB2];
	_ =	sdelay $0x3  }
0x33: {  	p0 =	seq.s32 s10, $0x1;
	s10 =	sld [smem:$0x3FB4];
	_ =	sdelay $0x3  }
0x34: {  	[smem:$0x3FB4] =	sst s10  }
0x35: {  	s10 =	sld [smem:$0x3FB3];
	_ =	sdelay $0x3  }
0x36: {  	p1 =	seq.s32 s10, $0x1;
	s10 =	sld [smem:$0x3FB4];
	_ =	sdelay $0x3  }
0x37: {  	[smem:$0x3FB4] =	sst s10  }
0x38: {  	s10 =	sld [smem:$0x3FB5]  }
0x39: {  	_ = 	snop;
	(pc) =	sbr.ind lr, $3  }
0x3a: {  	_ = 	snop  }
0x3b: {  	_ = 	snop  }
0x3c: {  	p2 =	seq.s32 s10, $0x1;
	s10 =	sld [smem:$0x3FB4]  }
0x3d: {  	_ =	shalt  }
0x3e: {  	_ =	shalt  }
0x3f: {  	_ =	shalt  }
0x40: {  	_ =	shalt  }
0x41: {  	_ =	shalt  }
0x42: {  	_ =	shalt  }
0x43: {  	_ =	shalt  }
0x44: {  	_ =	shalt  }
0x45: {  	_ =	shalt  }
0x46: {  	_ =	shalt  }
0x47: {  	_ =	shalt  }
0x48: {  	_ =	shalt  }
0x49: {  	_ =	shalt  }
0x4a: {  	_ =	shalt  }
0x4b: {  	_ =	shalt  }
0x4c: {  	_ =	shalt  }
0x4d: {  	_ =	shalt  }
0x4e: {  	_ =	shalt  }
0x4f: {  	_ =	shalt  }
0x50: {  	_ =	shalt  }
0x51: {  	_ =	shalt  }
0x52: {  	_ =	shalt  }
0x53: {  	_ =	shalt  }
0x54: {  	_ =	shalt  }
0x55: {  	_ =	shalt  }
0x56: {  	_ =	shalt  }
0x57: {  	_ =	shalt  }
0x58: {  	_ =	shalt  }
0x59: {  	_ =	shalt  }
0x5a: {  	_ =	shalt  }
0x5b: {  	_ =	shalt  }
0x5c: {  	_ =	shalt  }
0x5d: {  	_ =	shalt  }
0x5e: {  	_ =	shalt  }
0x5f: {  	_ =	shalt  }
0x60: {  	_ =	shalt  }
0x61: {  	_ =	shalt  }
0x62: {  	_ =	shalt  }
0x63: {  	_ =	shalt  }
0x64: {  	_ =	shalt  }
0x65: {  	_ =	shalt  }
0x66: {  	_ =	shalt  }
0x67: {  	_ =	shalt  }
0x68: {  	_ =	shalt  }
0x69: {  	_ =	shalt  }
0x6a: {  	_ =	shalt  }
0x6b: {  	_ =	shalt  }
0x6c: {  	_ =	shalt  }
0x6d: {  	_ =	shalt  }
0x6e: {  	_ =	shalt  }
0x6f: {  	_ =	shalt  }
0x70: {  	_ =	shalt  }
0x71: {  	_ =	shalt  }
0x72: {  	_ =	shalt  }
0x73: {  	_ =	shalt  }
0x74: {  	_ =	shalt  }
0x75: {  	_ =	shalt  }
0x76: {  	_ =	shalt  }
0x77: {  	_ =	shalt  }
0x78: {  	_ =	shalt  }
0x79: {  	_ =	shalt  }
0x7a: {  	_ =	shalt  }
0x7b: {  	_ =	shalt  }
0x7c: {  	_ =	shalt  }
0x7d: {  	_ =	shalt  }
0x7e: {  	_ =	shalt  }
0x7f: {  	_ =	shalt  }
0x80: {  	_ =	shalt  }
0x81: {  	_ =	shalt  }
0x82: {  	_ =	shalt  }
0x83: {  	_ =	shalt  }
0x84: {  	_ =	shalt  }
0x85: {  	_ =	shalt  }
0x86: {  	_ =	shalt  }
0x87: {  	_ =	shalt  }
.Lfunc_end0:
.L_simem_size_0:
called_computation_lowered:
.L_overlay_start_0:
0x88: {  	s2 =	sld [smem:$0x3FD9]  }
0x89: {  	s3 =	sld [smem:$0x3FFE];
	_ =	sdelay $0x1  }
0x8a: {  	s1 =	srdreg.scid  }
0x8b: {  	s0 =	sand.u32 $0x1, s1  }
0x8c: {  	s14 =	sshll.u32 s0, $0xA;
	s2 =	sadd.s32 s3, s2  }
0x8d: {  	s2 =	sadd.s32 s2, s14  }
0x8e: {  	[smem:$0x3FC0] =	sst s2  }
0x8f: {  	_ = 	snop  }
0x90: {  	s2 =	sld [smem:$0x3FD0];
	_ =	sdelay $0x2  }
0x91: {  	s15 =	simm.s32 $0xA;
	s4 =	simm.s32 $0x10  }
0x92: {  	[smem:s4], [sflag:s15] =	dma.local [hbm:s2], $0x1  }
0x93: {  	_ =	swait.eq [sflag:s15], $0x1  }
0x94: {  	[sflag:s15] =	ssyncset.done $0x0  }
0x95: {  	s16 =	sld [smem:$0x10];
	[sflag:s15] =	ssyncadd.s32 $0xFFFFFFFF  }
0x96: {  	s17 =	sld [smem:$0x11];
	(tm) =	ssettm $0x1  }
0x97: {  	s18 =	sld [smem:$0x3FFB];
	_ =	sdelay $0x3  }
0x98: {  	_ =	strace s18  }
0x99: {  	s4 =	sld [smem:$0x3FFC];
	_ =	sdelay $0x3  }
0x9a: {  	_ =	strace s4  }
0x9b: {  	s4 =	sld [smem:$0x3FFD];
	_ =	sdelay $0x3  }
0x9c: {  	_ =	strace s4  }
0x9d: {  	_ =	strace $0x8FFFFFFF  }
0x9e: {  	s19 =	sld [smem:$0x3FDB];
	_ =	sdelay $0x1  }
0x9f: {  	s5 =	simm.s32 $_scs_section_size  }
0xa0: {  	s6 =	simm.s32 $_size__tile_overlayer_lowered;
	s7 =	simm.s32 $_tile_overlayer_lowered  }
0xa1: {  	s22 =	simm.s32 $0x1BFF;
	s21 =	sshll.u32 s7, $0x1;
	s4 =	sadd.s32 s5, s19  }
0xa2: {  	s8 =	simm.s32 $0x0;
	s20 =	sshll.u32 s6, $0x1;
	s6 =	sadd.s32 s21, s4  }
0xa3: {  	[timem:s8], [sflag:s22] =	dma.local [hbm:s6], s20  }
0xa4: {  	_ =	swait.ge [sflag:s22], s20  }
0xa5: {  	s5 =	ssub.s32 $0x0, s20;
	[sflag:s22] =	ssyncset.done $0x0  }
0xa6: {  	[sflag:s22] =	ssyncadd.s32 s5;
	_ =	sdelay $0x1  }
0xa7: {  	s23 =	simm.s32 $0x1B8B  }
0xa8: {  	_ =	swait.ge [sflag:s23], $0x1  }
0xa9: {  	[sflag:s23] =	ssyncset.done $0x0  }
0xaa: {  	s25 =	simm.s32 $0x1B8E;
	s24 =	sld [smem:$0x3FFE];
	[sflag:s23] =	ssyncadd.s32 $0xFFFFFFFF  }
0xab: {  	s26 =	simm.s32 $execute0_lowered;
	[smem:$0x3FD2] =	sst s25  }
0xac: {  	s6 =	sshll.u32 s26, $0x1;
	_ =	strace $0x80000046;
	[dreg:$0x1] =	wrdreg $0xFFFFFFFF  }
0xad: {  	s28 =	simm.s32 $_size_execute0_lowered;
	s4 =	sadd.s32 s4, s6;
	[dreg:$0x0] =	wrdreg $0x0  }
0xae: {  	s6 =	sshll.u32 s28, $0x1;
	[dreg:$0x2] =	wrdreg s4  }
0xaf: {  	[dreg:$0x3] =	wrdreg s6  }
0xb0: {  	[dreg:$0x4] =	wrdreg $0xC0  }
0xb1: {  	_ =	task [dreg:s8], $0x5FFFF  }
0xb2: {  	[dreg:$0x1] =	wrdreg $0xFFFFFFFF  }
0xb3: {  	[dreg:$0x0] =	wrdreg $0x60  }
0xb4: {  	[dreg:$0x2] =	wrdreg s24  }
0xb5: {  	[dreg:$0x3] =	wrdreg s17  }
0xb6: {  	[dreg:$0x4] =	wrdreg s16  }
0xb7: {  	[dreg:$0x5] =	wrdreg $0xE3900  }
0xb8: {  	[dreg:$0x6] =	wrdreg $0x9  }
0xb9: {  	_ =	task.clear_ibuf [dreg:s8], $0x7FFFF;
	_ =	strace $0x90000046  }
0xba: {  	s29 =	simm.s32 $0x9;
	_ =	strace $0x80000048  }
0xbb: {  	_ =	swait.ge [sflag:s29], $0x1  }
0xbc: {  	[sflag:s29] =	ssyncadd.s32 $0xFFFFFFFF  }
0xbd: {  	_ =	strace $0x90000048  }
0xbe: {  	_ =	sfence  }
0xbf: {  	s30 =	sld [smem:$0x0];
	_ =	sdelay $0x2  }
0xc0: {  	s31 =	sshll.u32 s1, $0xD;
	s1 =	sshrl.u32 s1, $0x2  }
0xc1: {  	s3 =	sand.u32 $0x4000, s31;
	s1 =	sadd.s32 s1, s30  }
0xc2: {  	s0 =	sor.u32 s3, s0;
	s1 =	sshll.u32 s1, $0x11  }
0xc3: {  	s0 =	sor.u32 s1, s0  }
0xc4: {  	s0 =	sadd.s32 $0x8F2B, s0  }
0xc5: {  	[sflag:s0] =	ssyncadd.remote.s32 $0x1  }
0xc6: {  	_ =	sfence.sel $0xFFFF  }
0xc7: {  	[dreg:$0x0] =	wrdreg $0xFFFFFFFF;
	(pc) =	sbr.abs _section_cstart, $3  }
0xc8: {  	[dreg:$0x1] =	wrdreg $0xFFFFFFFF  }
0xc9: {  	_ =	task.clear_ibuf [dreg:s8], $0x2FFFF;
	_ =	strace $0x9FFFFFFF  }
0xca: {  	(tm) =	ssettm $0x7FFFFFFF  }
0xcb: {  	_ =	shalt  }
tec
execute0_lowered:
.L_overlay_start_1:
0x0: {  	(tag) =	ssettag $0x1  }
0x1: {  	s0 =	rddreg [dreg:$0x0]  }
0x2: {  	s1 =	srdreg.scid;
	s2 =	rddreg [dreg:$0x1]  }
0x3: {  	s3 =	rddreg [dreg:$0x2];
	s9 =	stileid.u32  }
0x4: {  	s4 =	rddreg [dreg:$0x3];
	s6 =	simm.s32 $0x0;
	s16 =	simm.s32 $0x9380  }
0x5: {  	s17 =	simm.s32 $0x5;
	s19 =	simm.s32 $0x1;
	s20 =	simm.s32 $0x80  }
0x6: {  	s21 =	simm.s32 $0x5100;
	s22 =	simm.s32 $0x9100;
	s28 =	simm.s32 $0x2  }
0x7: {  	s29 =	simm.s32 $0xBB80;
	s1 =	sand.u32 $0x1, s1;
	[smem:$0x7FF] =	sst s6  }
0x8: {  	s7 =	smul.u32 $0xC800, s9;
	s10 =	sadd.s32 $0x28A00, s0;
	s5 =	sshll.u32 s1, $0x4  }
0x9: {  	_ =	strace $0x80000047;
	s8 =	ssub.s32 $0x2, s1;
	s1 =	smul.u32 $0xC8000, s1  }
0xa: {  	s5 =	sor.u32 s9, s5;
	s9 =	smul.u32 $0x32000, s9;
	s23 =	sshrl.u32 s8, $0x1  }
0xb: {  	[dreg:$0x5] =	wrdreg s10;
	s5 =	smul.u32 $0xA20, s5;
	s8 =	ssub.s32 s8, s23  }
0xc: {  	s1 =	sadd.s32 s7, s1;
	s24 =	sshrl.u32 s9, $0x2;
	s31 =	smax.u32 s8, $0x1  }
0xd: {  	s9 =	sadd.s32 s7, s4;
	s5 =	sadd.s32 s5, s0;
	[dreg:$0xd] =	wrdreg s31  }
0xe: {  	s1 =	sshrl.u32 s1, $0x3;
	[dreg:$0x7] =	wrdreg s9;
	s5 =	sadd.s32 $0x14600, s5  }
0xf: {  	s1 =	sadd.s32 s3, s1;
	[dreg:$0x6] =	wrdreg s5;
	s5 =	sadd.s32 s24, s4  }
0x10: {  	s6 =	sadd.s32 $0x14000, s0;
	[dreg:$0xc] =	wrdreg s1;
	s25 =	sadd.s32 $0x2800, s5  }
0x11: {  	s23 =	simm.s32 $0x9200;
	s26 =	sadd.s32 $0x5000, s5;
	[dreg:$0x8] =	wrdreg s25  }
0x12: {  	s3 =	simm.s32 $0x0;
	s30 =	sadd.s32 $0x7800, s5;
	[dreg:$0x9] =	wrdreg s26  }
0x13: {  	s24 =	simm.s32 $0x7100;
	s5 =	sadd.s32 $0xA000, s5;
	[dreg:$0xa] =	wrdreg s30  }
0x14: {  	v0 =	vimm.f32 $0.0e+00;
	vm0 =	vmmov $0x1;
	[dreg:$0xb] =	wrdreg s5;
	s25 =	simm.s32 $0x9180;
	s26 =	simm.s32 $0x9280  }
.LBB2_1:
0x15: {  	s1 =	simm.s32 $0x0;
	s31 =	rddreg [dreg:$0x6]  }
0x16: {  	[tilespmem:s1], [sflag:$0x1] =	stream.linear.gather [hbm4b:s31+s1], $0x5100, $0x38;
	[tilespmem:$0x1AB90] =	vst v63  }
0x17: {  	[dreg:$0xe] =	wrdreg s3;
	s5 =	simm.s32 $0x140;
	s1 =	simm.s32 $0x0  }
.LBB2_2:
0x18: {  	p0 =	sne.s32 s5, $0x9EC0;
	[tilespmem:s1+$0x93C0] =	vst v0;
	s3 =	smov.u32 s5;
	s5 =	sadd.s32 $0x140, s5  }
.Ltmp0:
0x19: {  	[tilespmem:s1+$0x93B0] =	vst v0;
	(pc) =	sbr.rel @p0 .LBB2_2-.Ltmp0, $4  }
0x1a: {  	[tilespmem:s1+$0x93A0] =	vst v0  }
0x1b: {  	[tilespmem:s1+$0x9380] =	vst v0  }
0x1c: {  	[tilespmem:s1+$0x9390] =	vst v0  }
0x1d: {  	s1 =	sshra.s32 s3, $0x2  }
0x1e: {  	[tilespmem:s1+$0x93C0] =	vst v0  }
0x1f: {  	[tilespmem:s1+$0x93B0] =	vst v0  }
0x20: {  	[tilespmem:s1+$0x93A0] =	vst v0  }
0x21: {  	[tilespmem:s1+$0x9380] =	vst v0  }
0x22: {  	[tilespmem:s1+$0x9390] =	vst v0  }
0x23: {  	[spmem:s9] =	stream.linear.scatter [tilespmem:s16], [sflag:$0x5], $0x2800, $0x38;
	[tilespmem:$0x1AB90] =	vst v63  }
0x24: {  	_ =	swait.ge [sflag:s17], $0x2800  }
0x25: {  	[sflag:s17] =	ssyncset.done $0x0  }
0x26: {  	s13 =	rddreg [dreg:$0x8];
	[sflag:s17] =	ssyncadd.s32 $0xFFFFD800  }
0x27: {  	[spmem:s13] =	stream.linear.scatter [tilespmem:s16], [sflag:$0x5], $0x2800, $0x38;
	[tilespmem:$0x1AB90] =	vst v63  }
0x28: {  	_ =	swait.ge [sflag:s17], $0x2800  }
0x29: {  	[sflag:s17] =	ssyncset.done $0x0  }
0x2a: {  	s14 =	rddreg [dreg:$0x9];
	[sflag:s17] =	ssyncadd.s32 $0xFFFFD800  }
0x2b: {  	[spmem:s14] =	stream.linear.scatter [tilespmem:s16], [sflag:$0x5], $0x2800, $0x38;
	[tilespmem:$0x1AB90] =	vst v63  }
0x2c: {  	_ =	swait.ge [sflag:s17], $0x2800  }
0x2d: {  	[sflag:s17] =	ssyncset.done $0x0  }
0x2e: {  	s15 =	rddreg [dreg:$0xa];
	[sflag:s17] =	ssyncadd.s32 $0xFFFFD800  }
0x2f: {  	[spmem:s15] =	stream.linear.scatter [tilespmem:s16], [sflag:$0x5], $0x2800, $0x38;
	[tilespmem:$0x1AB90] =	vst v63  }
0x30: {  	_ =	swait.ge [sflag:s17], $0x2800  }
0x31: {  	[sflag:s17] =	ssyncset.done $0x0  }
0x32: {  	s18 =	rddreg [dreg:$0xb];
	[sflag:s17] =	ssyncadd.s32 $0xFFFFD800  }
0x33: {  	[spmem:s18] =	stream.linear.scatter [tilespmem:s16], [sflag:$0x5], $0x2800, $0x38;
	[tilespmem:$0x1AB90] =	vst v63  }
0x34: {  	_ =	swait.ge [sflag:s17], $0x2800  }
0x35: {  	s5 =	simm.s32 $0x0;
	[sflag:s17] =	ssyncset.done $0x0  }
0x36: {  	s3 =	simm.s32 $0xE380;
	s30 =	rddreg [dreg:$0x5];
	[sflag:s17] =	ssyncadd.s32 $0xFFFFD800  }
0x37: {  	[tilespmem:s3], [sflag:$0x5] =	stream.linear.gather [hbm4b:s30+s5], $0x10, $0x38;
	[tilespmem:$0x1AB90] =	vst v63  }
0x38: {  	_ =	swait.ge [sflag:s17], $0x10  }
0x39: {  	[sflag:s17] =	ssyncset.done $0x0  }
0x3a: {  	[sflag:s17] =	ssyncadd.s32 $0xFFFFFFF0  }
0x3b: {  	_ =	swait.ge [sflag:s19], $0x5100  }
0x3c: {  	[sflag:s19] =	ssyncset.done $0x0  }
0x3d: {  	[sflag:s19] =	ssyncadd.s32 $0xFFFFAF00  }
0x3e: {  	[bflag:$0x0] =	sbarrier.arrive $0xFFFF  }
0x3f: {  	[tilespmem:s21], [sflag:$0x1] =	stream.indirect.gather [hbm4b:s0+s20], $0x40, s5, s20, $0xb8;
	[tilespmem:$0x1AB90] =	vst v63  }
0x40: {  	_ = 	snop  }
0x41: {  	[tilespmem:s22], [sflag:$0x1] =	stream.indirect.gather [hbm4b:s2+s20], $0x1, s5, s20, $0xb8;
	[tilespmem:$0x1AB90] =	vst v63  }
0x42: {  	s31 =	simm.s32 $0x0  }
0x43: {  	[tilespmem:s23], [sflag:$0x1] =	stream.indirect.gather [hbm4b:s6+s20], $0x1, s20, s20, $0xb8;
	[tilespmem:$0x1AB90] =	vst v63  }
.LBB2_4:
0x44: {  	s1 =	sshll.u32 s31, $0x9  }
0x45: {  	s7 =	sand.u32 $0x3FFFFE00, s1  }
0x46: {  	s1 =	sor.u32 $0x100, s7  }
0x47: {  	[tilespmem:s24], [sflag:$0x2] =	stream.indirect.gather [hbm4b:s0+s20], $0x40, s1, s20, $0xb8;
	[tilespmem:$0x1AB90] =	vst v63  }
0x48: {  	_ = 	snop  }
0x49: {  	[tilespmem:s25], [sflag:$0x2] =	stream.indirect.gather [hbm4b:s2+s20], $0x1, s1, s20, $0xb8;
	[tilespmem:$0x1AB90] =	vst v63  }
0x4a: {  	s1 =	sor.u32 $0x180, s7  }
0x4b: {  	[tilespmem:s26], [sflag:$0x2] =	stream.indirect.gather [hbm4b:s6+s20], $0x1, s1, s20, $0xb8;
	[tilespmem:$0x1AB90] =	vst v63  }
0x4c: {  	_ =	swait.ge [sflag:s19], $0x2000  }
0x4d: {  	[sflag:s19] =	ssyncset.done $0x0  }
0x4e: {  	[sflag:s19] =	ssyncadd.s32 $0xFFFFE000  }
0x4f: {  	_ =	swait.ge [sflag:s19], $0x80  }
0x50: {  	[sflag:s19] =	ssyncset.done $0x0  }
0x51: {  	[sflag:s19] =	ssyncadd.s32 $0xFFFFFF80  }
0x52: {  	_ =	swait.ge [sflag:s19], $0x80  }
0x53: {  	p0 =	seq.s32 s31, $0x0;
	[sflag:s19] =	ssyncset.done $0x0  }
0x54: {  	s3 =	simm.s32 @!p0 $0x3;
	[sflag:s19] =	ssyncadd.s32 $0xFFFFFF80  }
0x55: {  	_ =	swait.ge @!p0 [sflag:s3], $0x2800  }
0x56: {  	[sflag:s3] =	ssyncset.done @!p0 $0x0  }
0x57: {  	[sflag:s3] =	ssyncadd.s32 @!p0 $0xFFFFD800  }
0x58: {  	v1 =	vld [tilespmem:$0x9100]  }
0x59: {  	v2 =	vld [tilespmem:$0x9200]  }
0x5a: {  	v3 =	vld [tilespmem:$0x9110]  }
0x5b: {  	v4 =	vld [tilespmem:$0x9210]  }
0x5c: {  	v5 =	vld [tilespmem:$0x9120]  }
0x5d: {  	v6 =	vld [tilespmem:$0x9220]  }
0x5e: {  	v7 =	vld [tilespmem:$0xE380]  }
0x5f: {  	v8 =	vld [tilespmem:$0x9230];
	v1 =	vadd.f32 v2, v1  }
0x60: {  	v2 =	vld [tilespmem:$0x9130]  }
0x61: {  	v10 =	vld [tilespmem:$0x9150];
	v3 =	vadd.f32 v4, v3;
	v9 =	vmul.f32 $2.000000030e-01, v1  }
0x62: {  	v12 =	vld [tilespmem:$0x9250];
	v5 =	vadd.f32 v6, v5;
	vm1 =	vge.f32 v1, $0.0e+00  }
0x63: {  	v4 =	vld [tilespmem:$0x9140];
	v1 =	vsel vm1, v1, v9;
	v9 =	vmul.f32 $2.000000030e-01, v3  }
0x64: {  	v6 =	vld [tilespmem:$0x9240];
	v11 =	vmul.f32 $2.000000030e-01, v5;
	vm1 =	vge.f32 v3, $0.0e+00;
	v1 =	vsub.f32 v1, v7  }
0x65: {  	v13 =	vld [tilespmem:$0x9170];
	v2 =	vadd.f32 v8, v2;
	v3 =	vsel vm1, v3, v9;
	vm1 =	vge.f32 v5, $0.0e+00  }
0x66: {  	v8 =	vld [tilespmem:$0x9160];
	v1 =	vmul.f32 $1.442695020e+00, v1;
	v3 =	vsub.f32 v3, v7;
	v5 =	vsel vm1, v5, v11  }
0x67: {  	v9 =	vld [tilespmem:$0x9260];
	v11 =	vmul.f32 $2.000000030e-01, v2;
	v5 =	vsub.f32 v5, v7  }
0x68: {  	vm1 =	vge.f32 v2, $0.0e+00;
	(erf) = vpow2.f32 v1;
	v1 =	vmul.f32 $1.442695020e+00, v3;
	v3 =	vld [tilespmem:$0x9270]  }
0x69: {  	v4 =	vadd.f32 v6, v4;
	v2 =	vsel vm1, v2, v11;
	v5 =	vmul.f32 $1.442695020e+00, v5  }
0x6a: {  	(erf) = vpow2.f32 v1;
	v1 =	vsub.f32 v2, v7  }
0x6b: {  	v2 =	vmul.f32 $2.000000030e-01, v4;
	(erf) = vpow2.f32 v5;
	v5 =	vadd.f32 v12, v10  }
0x6c: {  	vm1 =	vge.f32 v4, $0.0e+00;
	v6 =	vadd.f32 v9, v8;
	v1 =	vmul.f32 $1.442695020e+00, v1  }
0x6d: {  	v2 =	vsel vm1, v4, v2;
	v4 =	vmul.f32 $2.000000030e-01, v5;
	v3 =	vadd.f32 v3, v13  }
0x6e: {  	v8 =	vmul.f32 $2.000000030e-01, v6;
	v2 =	vsub.f32 v2, v7;
	vm1 =	vge.f32 v5, $0.0e+00  }
0x6f: {  	v4 =	vsel vm1, v5, v4;
	vm1 =	vge.f32 v6, $0.0e+00;
	v5 =	vmul.f32 $2.000000030e-01, v3  }
0x70: {  	v4 =	vsub.f32 v4, v7;
	v6 =	vsel vm1, v6, v8;
	vm1 =	vge.f32 v3, $0.0e+00  }
0x71: {  	v2 =	vmul.f32 $1.442695020e+00, v2;
	v6 =	vsub.f32 v6, v7;
	v3 =	vsel vm1, v3, v5  }
0x72: {  	(erf) = vpow2.f32 v1;
	v1 =	vmul.f32 $1.442695020e+00, v4;
	v3 =	vsub.f32 v3, v7  }
0x73: {  	(erf) = vpow2.f32 v2;
	v2 =	vmul.f32 $1.442695020e+00, v6  }
0x74: {  	(erf) = vpow2.f32 v1;
	v1 =	vmul.f32 $1.442695020e+00, v3  }
0x75: {  	(erf) = vpow2.f32 v2  }
0x76: {  	(erf) = vpow2.f32 v1;
	_ =	sdelay $0x1  }
0x77: {  	v1 =	vpop (erf)  }
0x78: {  	v2 =	vpop (erf);
	[tilespmem:$0x9300] =	vst v1  }
0x79: {  	v1 =	vpop (erf);
	[tilespmem:$0x9310] =	vst v2  }
0x7a: {  	v2 =	vpop (erf);
	[tilespmem:$0x9320] =	vst v1  }
0x7b: {  	v1 =	vpop (erf);
	[tilespmem:$0x9330] =	vst v2  }
0x7c: {  	v2 =	vpop (erf);
	[tilespmem:$0x9340] =	vst v1  }
0x7d: {  	v1 =	vpop (erf);
	[tilespmem:$0x9350] =	vst v2  }
0x7e: {  	[tilespmem:$0x9360] =	vst v1;
	v1 =	vpop (erf)  }
0x7f: {  	s13 =	sand.u32 $0x70, s5;
	[tilespmem:$0x9370] =	vst v1  }
0x80: {  	v2 =	vld [tilespmem:s13+$0x9300]  }
0x81: {  	s11 =	simm.s32 $0x5180  }
0x82: {  	s14 =	sand.u32 $0xF, s5;
	v3 =	vld [tilespmem:s11+$0xFFFFFFC0]  }
0x83: {  	s8 =	sadd.s32 $0x1, s14;
	v5 =	vld [tilespmem:s11+$0x40]  }
0x84: {  	s10 =	sadd.s32 $0x3, s14;
	v1 =	vmov s8  }
0x85: {  	v6 =	vmov s10;
	v7 =	vld [tilespmem:s11+$0x0];
	v4 =	vperm.xlane v2, v1  }
0x86: {  	s3 =	sadd.s32 $0x2, s14;
	v1 =	vperm.xlane v2, v6  }
0x87: {  	v8 =	vmov s3;
	v6 =	vld [tilespmem:s11+$0xFFFFFF80];
	v9 =	vmul.f32 v3, v4  }
0x88: {  	s15 =	sand.u32 $0xC, s5;
	s8 =	simm.s32 $0x9420;
	v3 =	vperm.xlane v2, v8;
	v5 =	vmul.f32 v5, v1  }
0x89: {  	v8 =	vmov s15;
	[tilespmem:s8+$0xFFFFFFB0] =	vst v9  }
0x8a: {  	v2 =	vperm.xlane v2, v8;
	v7 =	vmul.f32 v7, v3;
	[tilespmem:s8+$0x50] =	vst v5;
	v5 =	vld [tilespmem:s11+$0xFFFFFFD0]  }
0x8b: {  	s10 =	simm.s32 $0x5280;
	v8 =	vld [tilespmem:s11+$0x50]  }
0x8c: {  	s18 =	simm.s32 $0x4;
	v10 =	vld [tilespmem:s10+$0x0];
	v6 =	vmul.f32 v6, v2;
	[tilespmem:s8+$0x0] =	vst v7  }
0x8d: {  	s30 =	sand.u32 $0x70, s18;
	v7 =	vld [tilespmem:s11+$0x10]  }
0x8e: {  	[tilespmem:s8+$0xFFFFFF60] =	vst v6;
	v6 =	vld [tilespmem:s30+$0x9300]  }
0x8f: {  	v9 =	vld [tilespmem:s11+$0xFFFFFF90];
	v5 =	vmul.f32 v5, v4  }
0x90: {  	s12 =	sand.u32 $0xF, s18;
	v11 =	vld [tilespmem:s10+$0x40];
	v8 =	vmul.f32 v8, v1  }
0x91: {  	s14 =	sadd.s32 $0x3, s12;
	v15 =	vld [tilespmem:s10+$0xFFFFFFC0];
	[tilespmem:s8+$0xFFFFFFC0] =	vst v5  }
0x92: {  	s13 =	sadd.s32 $0x2, s12;
	v16 =	vld [tilespmem:s10+$0xFFFFFF80];
	[tilespmem:s8+$0x60] =	vst v8;
	v8 =	vmul.f32 v7, v3;
	v7 =	vmov s14  }
0x93: {  	s12 =	sadd.s32 $0x1, s12;
	v5 =	vmov s13;
	v12 =	vld [tilespmem:s11+$0xFFFFFFE0];
	v7 =	vperm.xlane v6, v7  }
0x94: {  	v5 =	vperm.xlane v6, v5;
	v14 =	vld [tilespmem:s11+$0x60];
	v9 =	vmul.f32 v9, v2;
	[tilespmem:s8+$0x10] =	vst v8;
	v8 =	vmov s12  }
0x95: {  	s3 =	sand.u32 $0xC, s18;
	v11 =	vmul.f32 v11, v7;
	v8 =	vperm.xlane v6, v8  }
0x96: {  	s13 =	simm.s32 $0x9560;
	v10 =	vmul.f32 v10, v5;
	[tilespmem:s8+$0xFFFFFF70] =	vst v9;
	v9 =	vmov s3  }
0x97: {  	v17 =	vld [tilespmem:s11+$0x20];
	v6 =	vperm.xlane v6, v9;
	[tilespmem:s13+$0x50] =	vst v11;
	v11 =	vmul.f32 v15, v8  }
0x98: {  	v18 =	vld [tilespmem:s11+$0xFFFFFFA0];
	[tilespmem:s13+$0x0] =	vst v10;
	v12 =	vmul.f32 v12, v4  }
0x99: {  	v13 =	vld [tilespmem:s10+$0x10];
	v9 =	vmul.f32 v14, v1;
	v14 =	vmul.f32 v16, v6;
	[tilespmem:s13+$0xFFFFFFB0] =	vst v11  }
0x9a: {  	v10 =	vld [tilespmem:s10+$0x50];
	[tilespmem:s8+$0xFFFFFFD0] =	vst v12  }
0x9b: {  	[tilespmem:s13+$0xFFFFFF60] =	vst v14;
	v14 =	vld [tilespmem:s10+$0xFFFFFFD0]  }
0x9c: {  	v11 =	vnsel vm0, $0x0, v8;
	[tilespmem:s8+$0x70] =	vst v9;
	v15 =	vld [tilespmem:s11+$0xFFFFFFF0]  }
0x9d: {  	s15 =	simm.s32 $0x8;
	s14 =	simm.s32 $0x5280;
	s12 =	simm.s32 $0x9560;
	v9 =	vnsel vm0, $0x0, v4;
	v17 =	vmul.f32 v17, v3;
	v12 =	vld [tilespmem:s11+$0x70];
	v16 =	vmul.f32 v18, v2  }
.LBB2_5:
0x9e: {  	s9 =	sand.u32 $0x70, s15  }
0x9f: {  	v18 =	vld [tilespmem:s10+$0xFFFFFF90];
	s14 =	sadd.s32 $0x100, s14;
	[tilespmem:s8+$0x20] =	vst v17;
	s30 =	smov.u32 s15;
	s3 =	sadd.s32 $0x4, s15  }
0xa0: {  	p1 =	slt.u32 s15, $0x7C;
	v19 =	vnsel vm0, $0x0, v3;
	[tilespmem:s8+$0xFFFFFFF0] =	vst v9;
	v17 =	vld [tilespmem:s11+$0x30];
	v9 =	vmov v11  }
0xa1: {  	v13 =	vmul.f32 v13, v5;
	v11 =	vld [tilespmem:s9+$0x9300];
	v15 =	vmul.f32 v15, v4;
	[tilespmem:s8+$0x40] =	vst v19;
	v4 =	vmov v8  }
0xa2: {  	s15 =	sand.u32 $0xF, s30;
	s9 =	sand.u32 $0xC, s30;
	v19 =	vld [tilespmem:s14+$0xFFFFFFC0];
	[tilespmem:s8+$0xFFFFFF80] =	vst v16;
	v8 =	vmul.f32 v12, v1  }
0xa3: {  	s30 =	sadd.s32 $0x1, s15;
	s18 =	sadd.s32 $0x2, s15;
	s15 =	sadd.s32 $0x3, s15;
	v16 =	vnsel vm0, $0x0, v2;
	v12 =	vld [tilespmem:s11+$0xFFFFFFB0];
	[tilespmem:s8+$0xFFFFFFE0] =	vst v15;
	v15 =	vnsel vm0, $0x0, v1;
	v1 =	vmov v7  }
0xa4: {  	v20 =	vmov s9;
	v7 =	vmov s15;
	v14 =	vmul.f32 v14, v4;
	s11 =	smov.u32 s10;
	s10 =	smov.u32 s14;
	v21 =	vld [tilespmem:s14+$0x40];
	[tilespmem:s8+$0xFFFFFFA0] =	vst v16  }
0xa5: {  	v16 =	vmov s30;
	v18 =	vmul.f32 v18, v6;
	v22 =	vld [tilespmem:s14+$0x0];
	v17 =	vmul.f32 v17, v3;
	[tilespmem:s8+$0x90] =	vst v15;
	v3 =	vmovc v5  }
0xa6: {  	v10 =	vmul.f32 v10, v1;
	v5 =	vmov s18;
	v15 =	vld [tilespmem:s14+$0xFFFFFF80];
	[tilespmem:s13+$0xFFFFFFC0] =	vst v14  }
0xa7: {  	v7 =	vperm.xlane v11, v7;
	v14 =	vld [tilespmem:s11+$0xFFFFFFE0];
	[tilespmem:s8+$0x30] =	vst v17  }
0xa8: {  	v5 =	vperm.xlane v11, v5;
	s13 =	sadd.s32 $0x140, s13;
	[tilespmem:s12+$0x60] =	vst v10;
	v10 =	vmul.f32 v12, v2;
	v2 =	vmov v6  }
0xa9: {  	v6 =	vperm.xlane v11, v20;
	v12 =	vld [tilespmem:s11+$0x60];
	[tilespmem:s8+$0x80] =	vst v8  }
0xaa: {  	v8 =	vperm.xlane v11, v16;
	v16 =	vmul.f32 v22, v5;
	[tilespmem:s8+$0xFFFFFF90] =	vst v10;
	s8 =	smov.u32 s12;
	s12 =	smov.u32 s13  }
0xab: {  	v10 =	vmul.f32 v21, v7;
	v20 =	vmul.f32 v15, v6;
	[tilespmem:s8+$0x10] =	vst v13  }
0xac: {  	v17 =	vmul.f32 v19, v8;
	v11 =	vnsel vm0, $0x0, v8;
	[tilespmem:s8+$0xFFFFFF70] =	vst v18;
	v14 =	vmul.f32 v14, v4;
	v18 =	vld [tilespmem:s11+$0x20]  }
0xad: {  	[tilespmem:s13+$0x0] =	vst v16;
	v16 =	vld [tilespmem:s11+$0xFFFFFFA0]  }
.Ltmp1:
0xae: {  	v13 =	vld [tilespmem:s14+$0x10];
	[tilespmem:s13+$0x50] =	vst v10;
	v12 =	vmul.f32 v12, v1;
	(pc) =	sbr.rel @p1 .LBB2_5-.Ltmp1, $4  }
0xaf: {  	v10 =	vld [tilespmem:s14+$0x50];
	[tilespmem:s8+$0xFFFFFFD0] =	vst v14  }
0xb0: {  	v15 =	vld [tilespmem:s11+$0xFFFFFFF0];
	[tilespmem:s8+$0x70] =	vst v12  }
0xb1: {  	[tilespmem:s13+$0xFFFFFFB0] =	vst v17;
	v17 =	vmul.f32 v18, v3;
	v12 =	vld [tilespmem:s11+$0x70]  }
0xb2: {  	s15 =	smov.u32 s3;
	[tilespmem:s13+$0xFFFFFF60] =	vst v20;
	v14 =	vld [tilespmem:s14+$0xFFFFFFD0];
	v16 =	vmul.f32 v16, v2  }
0xb3: {  	_ = 	snop  }
0xb4: {  	[tilespmem:s8+$0x20] =	vst v17  }
0xb5: {  	[tilespmem:s8+$0xFFFFFFF0] =	vst v9;
	v13 =	vmul.f32 v13, v5  }
0xb6: {  	v18 =	vld [tilespmem:s10+$0xFFFFFF90];
	[tilespmem:s8+$0xFFFFFF80] =	vst v16;
	v10 =	vmul.f32 v10, v7  }
0xb7: {  	v9 =	vld [tilespmem:s11+$0x30];
	[tilespmem:s12+$0x10] =	vst v13;
	v14 =	vmul.f32 v14, v8  }
0xb8: {  	v4 =	vmul.f32 v15, v4;
	[tilespmem:s12+$0x60] =	vst v10  }
0xb9: {  	v15 =	vld [tilespmem:s11+$0xFFFFFFB0];
	[tilespmem:s13+$0xFFFFFFC0] =	vst v14  }
0xba: {  	v13 =	vnsel vm0, $0x0, v1;
	[tilespmem:s8+$0xFFFFFFE0] =	vst v4;
	v4 =	vld [tilespmem:s10+$0xFFFFFFE0]  }
0xbb: {  	v10 =	vld [tilespmem:s10+$0x20];
	[tilespmem:s8+$0x90] =	vst v13;
	v1 =	vmul.f32 v12, v1;
	v14 =	vnsel vm0, $0x0, v2  }
0xbc: {  	v17 =	vnsel vm0, $0x0, v3;
	v3 =	vmul.f32 v9, v3;
	v9 =	vld [tilespmem:s10+$0x60];
	[tilespmem:s8+$0xFFFFFFA0] =	vst v14;
	v14 =	vmul.f32 v18, v6  }
0xbd: {  	[tilespmem:s8+$0x80] =	vst v1  }
0xbe: {  	v2 =	vmul.f32 v15, v2;
	[tilespmem:s12+$0xFFFFFF70] =	vst v14  }
0xbf: {  	[tilespmem:s8+$0x30] =	vst v3;
	v13 =	vld [tilespmem:s10+$0xFFFFFFA0];
	v4 =	vmul.f32 v4, v8  }
0xc0: {  	v3 =	vmul.f32 v10, v5;
	[tilespmem:s8+$0xFFFFFF90] =	vst v2  }
0xc1: {  	v2 =	vmul.f32 v9, v7;
	[tilespmem:s12+$0xFFFFFFD0] =	vst v4  }
0xc2: {  	[tilespmem:s12+$0x20] =	vst v3;
	v1 =	vld [tilespmem:s10+$0xFFFFFFF0]  }
0xc3: {  	[tilespmem:s12+$0x70] =	vst v2;
	v2 =	vld [tilespmem:s10+$0x30]  }
0xc4: {  	v4 =	vmul.f32 v13, v6  }
0xc5: {  	[tilespmem:s8+$0x40] =	vst v17  }
0xc6: {  	v3 =	vld [tilespmem:s10+$0x70];
	[tilespmem:s12+$0xFFFFFF80] =	vst v4  }
0xc7: {  	[tilespmem:s12+$0xFFFFFFF0] =	vst v11;
	v4 =	vnsel vm0, $0x0, v5;
	v1 =	vmul.f32 v1, v8;
	v8 =	vld [tilespmem:s10+$0xFFFFFFB0]  }
0xc8: {  	[tilespmem:s12+$0x40] =	vst v4;
	v4 =	vnsel vm0, $0x0, v6;
	v2 =	vmul.f32 v2, v5  }
0xc9: {  	[tilespmem:s12+$0xFFFFFFA0] =	vst v4  }
0xca: {  	[tilespmem:s12+$0x30] =	vst v2  }
0xcb: {  	v3 =	vmul.f32 v3, v7;
	[tilespmem:s12+$0xFFFFFFE0] =	vst v1;
	v1 =	vnsel vm0, $0x0, v7  }
0xcc: {  	[tilespmem:s12+$0x90] =	vst v1;
	v1 =	vmul.f32 v8, v6  }
0xcd: {  	[tilespmem:s12+$0x80] =	vst v3  }
0xce: {  	s3 =	sadd.s32 $0x80, s7;
	[tilespmem:s12+$0xFFFFFF90] =	vst v1  }
0xcf: {  	[spmem:s4] =	stream.indirect.scatter.add.f32 [tilespmem:s16], [sflag:$0x3], $0x50, s3, s20, $0xb8;
	[tilespmem:$0x1AB90] =	vst v63  }
0xd0: {  	s15 =	sadd.s32 $0x200, s7  }
0xd1: {  	[tilespmem:s21], [sflag:$0x1] =	stream.indirect.gather [hbm4b:s0+s20], $0x40, s15, s20, $0xb8;
	[tilespmem:$0x1AB90] =	vst v63  }
0xd2: {  	_ = 	snop  }
0xd3: {  	[tilespmem:s22], [sflag:$0x1] =	stream.indirect.gather [hbm4b:s2+s20], $0x1, s15, s20, $0xb8;
	[tilespmem:$0x1AB90] =	vst v63  }
0xd4: {  	s18 =	sadd.s32 $0x280, s7  }
0xd5: {  	[tilespmem:s23], [sflag:$0x1] =	stream.indirect.gather [hbm4b:s6+s20], $0x1, s18, s20, $0xb8;
	[tilespmem:$0x1AB90] =	vst v63  }
0xd6: {  	_ =	swait.ge [sflag:s28], $0x2000  }
0xd7: {  	[sflag:s28] =	ssyncset.done $0x0  }
0xd8: {  	[sflag:s28] =	ssyncadd.s32 $0xFFFFE000  }
0xd9: {  	_ =	swait.ge [sflag:s28], $0x80  }
0xda: {  	[sflag:s28] =	ssyncset.done $0x0  }
0xdb: {  	[sflag:s28] =	ssyncadd.s32 $0xFFFFFF80  }
0xdc: {  	_ =	swait.ge [sflag:s28], $0x80  }
0xdd: {  	[sflag:s28] =	ssyncset.done $0x0  }
0xde: {  	s3 =	simm.s32 @!p0 $0x4;
	[sflag:s28] =	ssyncadd.s32 $0xFFFFFF80  }
0xdf: {  	_ =	swait.ge @!p0 [sflag:s3], $0x2800  }
0xe0: {  	[sflag:s3] =	ssyncset.done @!p0 $0x0  }
0xe1: {  	[sflag:s3] =	ssyncadd.s32 @!p0 $0xFFFFD800  }
0xe2: {  	v1 =	vld [tilespmem:$0x9180]  }
0xe3: {  	v2 =	vld [tilespmem:$0x9280]  }
0xe4: {  	v3 =	vld [tilespmem:$0x9190]  }
0xe5: {  	v4 =	vld [tilespmem:$0x9290]  }
0xe6: {  	v5 =	vld [tilespmem:$0x91A0]  }
0xe7: {  	v6 =	vld [tilespmem:$0x92A0]  }
0xe8: {  	v7 =	vld [tilespmem:$0xE380]  }
0xe9: {  	v8 =	vld [tilespmem:$0x92B0];
	v1 =	vadd.f32 v2, v1  }
0xea: {  	v2 =	vld [tilespmem:$0x91B0]  }
0xeb: {  	v10 =	vld [tilespmem:$0x91D0];
	v3 =	vadd.f32 v4, v3;
	v9 =	vmul.f32 $2.000000030e-01, v1  }
0xec: {  	v12 =	vld [tilespmem:$0x92D0];
	v5 =	vadd.f32 v6, v5;
	vm1 =	vge.f32 v1, $0.0e+00  }
0xed: {  	v4 =	vld [tilespmem:$0x91C0];
	v1 =	vsel vm1, v1, v9;
	v9 =	vmul.f32 $2.000000030e-01, v3  }
0xee: {  	v6 =	vld [tilespmem:$0x92C0];
	v11 =	vmul.f32 $2.000000030e-01, v5;
	vm1 =	vge.f32 v3, $0.0e+00;
	v1 =	vsub.f32 v1, v7  }
0xef: {  	v13 =	vld [tilespmem:$0x91F0];
	v2 =	vadd.f32 v8, v2;
	v3 =	vsel vm1, v3, v9;
	vm1 =	vge.f32 v5, $0.0e+00  }
0xf0: {  	v8 =	vld [tilespmem:$0x91E0];
	v1 =	vmul.f32 $1.442695020e+00, v1;
	v3 =	vsub.f32 v3, v7;
	v5 =	vsel vm1, v5, v11  }
0xf1: {  	v9 =	vld [tilespmem:$0x92E0];
	v11 =	vmul.f32 $2.000000030e-01, v2;
	v5 =	vsub.f32 v5, v7  }
0xf2: {  	vm1 =	vge.f32 v2, $0.0e+00;
	(erf) = vpow2.f32 v1;
	v1 =	vmul.f32 $1.442695020e+00, v3;
	v3 =	vld [tilespmem:$0x92F0]  }
0xf3: {  	v4 =	vadd.f32 v6, v4;
	v2 =	vsel vm1, v2, v11;
	v5 =	vmul.f32 $1.442695020e+00, v5  }
0xf4: {  	(erf) = vpow2.f32 v1;
	v1 =	vsub.f32 v2, v7  }
0xf5: {  	v2 =	vmul.f32 $2.000000030e-01, v4;
	(erf) = vpow2.f32 v5;
	v5 =	vadd.f32 v12, v10  }
0xf6: {  	vm1 =	vge.f32 v4, $0.0e+00;
	v6 =	vadd.f32 v9, v8;
	v1 =	vmul.f32 $1.442695020e+00, v1  }
0xf7: {  	v2 =	vsel vm1, v4, v2;
	v4 =	vmul.f32 $2.000000030e-01, v5;
	v3 =	vadd.f32 v3, v13  }
0xf8: {  	v8 =	vmul.f32 $2.000000030e-01, v6;
	v2 =	vsub.f32 v2, v7;
	vm1 =	vge.f32 v5, $0.0e+00  }
0xf9: {  	v4 =	vsel vm1, v5, v4;
	vm1 =	vge.f32 v6, $0.0e+00;
	v5 =	vmul.f32 $2.000000030e-01, v3  }
0xfa: {  	v4 =	vsub.f32 v4, v7;
	v6 =	vsel vm1, v6, v8;
	vm1 =	vge.f32 v3, $0.0e+00  }
0xfb: {  	v2 =	vmul.f32 $1.442695020e+00, v2;
	v6 =	vsub.f32 v6, v7;
	v3 =	vsel vm1, v3, v5  }
0xfc: {  	(erf) = vpow2.f32 v1;
	v1 =	vmul.f32 $1.442695020e+00, v4;
	v3 =	vsub.f32 v3, v7  }
0xfd: {  	(erf) = vpow2.f32 v2;
	v2 =	vmul.f32 $1.442695020e+00, v6  }
0xfe: {  	(erf) = vpow2.f32 v1;
	v1 =	vmul.f32 $1.442695020e+00, v3  }
0xff: {  	(erf) = vpow2.f32 v2  }
0x100: {  	(erf) = vpow2.f32 v1;
	_ =	sdelay $0x1  }
0x101: {  	v1 =	vpop (erf)  }
0x102: {  	v2 =	vpop (erf);
	[tilespmem:$0x9300] =	vst v1  }
0x103: {  	v1 =	vpop (erf);
	[tilespmem:$0x9310] =	vst v2  }
0x104: {  	v2 =	vpop (erf);
	[tilespmem:$0x9320] =	vst v1  }
0x105: {  	v1 =	vpop (erf);
	[tilespmem:$0x9330] =	vst v2  }
0x106: {  	v2 =	vpop (erf);
	[tilespmem:$0x9340] =	vst v1  }
0x107: {  	v1 =	vpop (erf);
	[tilespmem:$0x9350] =	vst v2  }
0x108: {  	s30 =	simm.s32 $0x0;
	[tilespmem:$0x9360] =	vst v1;
	v1 =	vpop (erf)  }
0x109: {  	s10 =	sand.u32 $0x70, s30;
	[tilespmem:$0x9370] =	vst v1  }
0x10a: {  	v2 =	vld [tilespmem:s10+$0x9300]  }
0x10b: {  	s10 =	simm.s32 $0x7180  }
0x10c: {  	s11 =	sand.u32 $0xF, s30;
	v3 =	vld [tilespmem:s10+$0xFFFFFFC0]  }
0x10d: {  	s12 =	sadd.s32 $0x1, s11;
	v5 =	vld [tilespmem:s10+$0x40]  }
0x10e: {  	s9 =	sadd.s32 $0x3, s11;
	v1 =	vmov s12  }
0x10f: {  	v6 =	vmov s9;
	v7 =	vld [tilespmem:s10+$0x0];
	v4 =	vperm.xlane v2, v1  }
0x110: {  	s7 =	sadd.s32 $0x2, s11;
	v1 =	vperm.xlane v2, v6  }
0x111: {  	v8 =	vmov s7;
	v6 =	vld [tilespmem:s10+$0xFFFFFF80];
	v9 =	vmul.f32 v3, v4  }
0x112: {  	s3 =	sand.u32 $0xC, s30;
	s7 =	simm.s32 $0xBC20;
	v3 =	vperm.xlane v2, v8;
	v5 =	vmul.f32 v5, v1  }
0x113: {  	v8 =	vmov s3;
	[tilespmem:s7+$0xFFFFFFB0] =	vst v9  }
0x114: {  	v2 =	vperm.xlane v2, v8;
	v7 =	vmul.f32 v7, v3;
	[tilespmem:s7+$0x50] =	vst v5;
	v5 =	vld [tilespmem:s10+$0xFFFFFFD0]  }
0x115: {  	s8 =	simm.s32 $0x7280;
	v8 =	vld [tilespmem:s10+$0x50]  }
0x116: {  	s13 =	simm.s32 $0x4;
	v10 =	vld [tilespmem:s8+$0x0];
	v6 =	vmul.f32 v6, v2;
	[tilespmem:s7+$0x0] =	vst v7  }
0x117: {  	s14 =	sand.u32 $0x70, s13;
	v7 =	vld [tilespmem:s10+$0x10]  }
0x118: {  	[tilespmem:s7+$0xFFFFFF60] =	vst v6;
	v6 =	vld [tilespmem:s14+$0x9300]  }
0x119: {  	v9 =	vld [tilespmem:s10+$0xFFFFFF90];
	v5 =	vmul.f32 v5, v4  }
0x11a: {  	s15 =	sand.u32 $0xF, s13;
	v11 =	vld [tilespmem:s8+$0x40];
	v8 =	vmul.f32 v8, v1  }
0x11b: {  	s30 =	sadd.s32 $0x3, s15;
	v15 =	vld [tilespmem:s8+$0xFFFFFFC0];
	[tilespmem:s7+$0xFFFFFFC0] =	vst v5  }
0x11c: {  	s18 =	sadd.s32 $0x2, s15;
	v16 =	vld [tilespmem:s8+$0xFFFFFF80];
	[tilespmem:s7+$0x60] =	vst v8;
	v8 =	vmul.f32 v7, v3;
	v7 =	vmov s30  }
0x11d: {  	s9 =	sadd.s32 $0x1, s15;
	v5 =	vmov s18;
	v12 =	vld [tilespmem:s10+$0xFFFFFFE0];
	v7 =	vperm.xlane v6, v7  }
0x11e: {  	v5 =	vperm.xlane v6, v5;
	v14 =	vld [tilespmem:s10+$0x60];
	v9 =	vmul.f32 v9, v2;
	[tilespmem:s7+$0x10] =	vst v8;
	v8 =	vmov s9  }
0x11f: {  	s3 =	sand.u32 $0xC, s13;
	v11 =	vmul.f32 v11, v7;
	v8 =	vperm.xlane v6, v8  }
0x120: {  	s12 =	simm.s32 $0xBD60;
	v10 =	vmul.f32 v10, v5;
	[tilespmem:s7+$0xFFFFFF70] =	vst v9;
	v9 =	vmov s3  }
0x121: {  	v17 =	vld [tilespmem:s10+$0x20];
	v6 =	vperm.xlane v6, v9;
	[tilespmem:s12+$0x50] =	vst v11;
	v11 =	vmul.f32 v15, v8  }
0x122: {  	v18 =	vld [tilespmem:s10+$0xFFFFFFA0];
	[tilespmem:s12+$0x0] =	vst v10;
	v12 =	vmul.f32 v12, v4  }
0x123: {  	v13 =	vld [tilespmem:s8+$0x10];
	v9 =	vmul.f32 v14, v1;
	v14 =	vmul.f32 v16, v6;
	[tilespmem:s12+$0xFFFFFFB0] =	vst v11  }
0x124: {  	v10 =	vld [tilespmem:s8+$0x50];
	[tilespmem:s7+$0xFFFFFFD0] =	vst v12  }
0x125: {  	[tilespmem:s12+$0xFFFFFF60] =	vst v14;
	v14 =	vld [tilespmem:s8+$0xFFFFFFD0]  }
0x126: {  	v11 =	vnsel vm0, $0x0, v8;
	[tilespmem:s7+$0x70] =	vst v9;
	v15 =	vld [tilespmem:s10+$0xFFFFFFF0]  }
0x127: {  	s11 =	simm.s32 $0xBD60;
	s13 =	simm.s32 $0x7280;
	s3 =	simm.s32 $0x8;
	v9 =	vnsel vm0, $0x0, v4;
	v17 =	vmul.f32 v17, v3;
	v12 =	vld [tilespmem:s10+$0x70];
	v16 =	vmul.f32 v18, v2  }
.LBB2_7:
0x128: {  	s9 =	sand.u32 $0x70, s3  }
0x129: {  	v18 =	vld [tilespmem:s8+$0xFFFFFF90];
	s13 =	sadd.s32 $0x100, s13;
	[tilespmem:s7+$0x20] =	vst v17;
	s15 =	smov.u32 s3;
	s14 =	sadd.s32 $0x4, s3  }
0x12a: {  	p0 =	slt.u32 s3, $0x7C;
	v19 =	vnsel vm0, $0x0, v3;
	[tilespmem:s7+$0xFFFFFFF0] =	vst v9;
	v17 =	vld [tilespmem:s10+$0x30];
	v9 =	vmov v11  }
0x12b: {  	v13 =	vmul.f32 v13, v5;
	v11 =	vld [tilespmem:s9+$0x9300];
	v15 =	vmul.f32 v15, v4;
	[tilespmem:s7+$0x40] =	vst v19;
	v4 =	vmov v8  }
0x12c: {  	s3 =	sand.u32 $0xC, s15;
	s9 =	sand.u32 $0xF, s15;
	v19 =	vld [tilespmem:s13+$0xFFFFFFC0];
	[tilespmem:s7+$0xFFFFFF80] =	vst v16;
	v8 =	vmul.f32 v12, v1  }
0x12d: {  	s15 =	sadd.s32 $0x1, s9;
	s18 =	sadd.s32 $0x2, s9;
	s9 =	sadd.s32 $0x3, s9;
	v16 =	vnsel vm0, $0x0, v2;
	v12 =	vld [tilespmem:s10+$0xFFFFFFB0];
	[tilespmem:s7+$0xFFFFFFE0] =	vst v15;
	v15 =	vnsel vm0, $0x0, v1;
	v1 =	vmov v7  }
0x12e: {  	v20 =	vmov s3;
	v7 =	vmov s9;
	v14 =	vmul.f32 v14, v4;
	s10 =	smov.u32 s8;
	s8 =	smov.u32 s13;
	v21 =	vld [tilespmem:s13+$0x40];
	[tilespmem:s7+$0xFFFFFFA0] =	vst v16  }
0x12f: {  	v16 =	vmov s15;
	v18 =	vmul.f32 v18, v6;
	v22 =	vld [tilespmem:s13+$0x0];
	v17 =	vmul.f32 v17, v3;
	[tilespmem:s7+$0x90] =	vst v15;
	v3 =	vmovc v5  }
0x130: {  	v10 =	vmul.f32 v10, v1;
	v5 =	vmov s18;
	v15 =	vld [tilespmem:s13+$0xFFFFFF80];
	[tilespmem:s12+$0xFFFFFFC0] =	vst v14  }
0x131: {  	v7 =	vperm.xlane v11, v7;
	v14 =	vld [tilespmem:s10+$0xFFFFFFE0];
	[tilespmem:s7+$0x30] =	vst v17  }
0x132: {  	v5 =	vperm.xlane v11, v5;
	s12 =	sadd.s32 $0x140, s12;
	[tilespmem:s11+$0x60] =	vst v10;
	v10 =	vmul.f32 v12, v2;
	v2 =	vmov v6  }
0x133: {  	v6 =	vperm.xlane v11, v20;
	v12 =	vld [tilespmem:s10+$0x60];
	[tilespmem:s7+$0x80] =	vst v8  }
0x134: {  	v8 =	vperm.xlane v11, v16;
	v16 =	vmul.f32 v22, v5;
	[tilespmem:s7+$0xFFFFFF90] =	vst v10;
	s7 =	smov.u32 s11;
	s11 =	smov.u32 s12  }
0x135: {  	v10 =	vmul.f32 v21, v7;
	v20 =	vmul.f32 v15, v6;
	[tilespmem:s7+$0x10] =	vst v13  }
0x136: {  	v17 =	vmul.f32 v19, v8;
	v11 =	vnsel vm0, $0x0, v8;
	[tilespmem:s7+$0xFFFFFF70] =	vst v18;
	v14 =	vmul.f32 v14, v4;
	v18 =	vld [tilespmem:s10+$0x20]  }
0x137: {  	[tilespmem:s12+$0x0] =	vst v16;
	v16 =	vld [tilespmem:s10+$0xFFFFFFA0]  }
.Ltmp2:
0x138: {  	v13 =	vld [tilespmem:s13+$0x10];
	[tilespmem:s12+$0x50] =	vst v10;
	v12 =	vmul.f32 v12, v1;
	(pc) =	sbr.rel @p0 .LBB2_7-.Ltmp2, $4  }
0x139: {  	v10 =	vld [tilespmem:s13+$0x50];
	[tilespmem:s7+$0xFFFFFFD0] =	vst v14  }
0x13a: {  	v15 =	vld [tilespmem:s10+$0xFFFFFFF0];
	[tilespmem:s7+$0x70] =	vst v12  }
0x13b: {  	[tilespmem:s12+$0xFFFFFFB0] =	vst v17;
	v17 =	vmul.f32 v18, v3;
	v12 =	vld [tilespmem:s10+$0x70]  }
0x13c: {  	s3 =	smov.u32 s14;
	[tilespmem:s12+$0xFFFFFF60] =	vst v20;
	v14 =	vld [tilespmem:s13+$0xFFFFFFD0];
	v16 =	vmul.f32 v16, v2  }
0x13d: {  	[tilespmem:s7+$0x20] =	vst v17  }
0x13e: {  	[tilespmem:s7+$0xFFFFFFF0] =	vst v9;
	v51 =	vnsel vm0, $0x0, v3;
	v18 =	vld [tilespmem:s8+$0xFFFFFF90]  }
0x13f: {  	v13 =	vmul.f32 v13, v5;
	v50 =	vld [tilespmem:s10+$0x30];
	[tilespmem:s7+$0x40] =	vst v51  }
0x140: {  	[tilespmem:s7+$0xFFFFFF80] =	vst v16;
	v10 =	vmul.f32 v10, v7  }
0x141: {  	v52 =	vld [tilespmem:s10+$0xFFFFFFB0];
	[tilespmem:s11+$0x10] =	vst v13;
	v14 =	vmul.f32 v14, v8  }
0x142: {  	[tilespmem:s11+$0x60] =	vst v10;
	v56 =	vld [tilespmem:s8+$0x20]  }
0x143: {  	v57 =	vnsel vm0, $0x0, v1;
	v4 =	vmul.f32 v15, v4;
	v58 =	vld [tilespmem:s8+$0x60];
	[tilespmem:s12+$0xFFFFFFC0] =	vst v14  }
0x144: {  	[tilespmem:s7+$0x90] =	vst v57;
	v55 =	vmul.f32 v18, v6;
	v54 =	vld [tilespmem:s8+$0xFFFFFFE0]  }
0x145: {  	[tilespmem:s7+$0xFFFFFFE0] =	vst v4;
	v3 =	vmul.f32 v50, v3  }
0x146: {  	v53 =	vnsel vm0, $0x0, v2;
	[tilespmem:s11+$0xFFFFFF70] =	vst v55;
	v2 =	vmul.f32 v52, v2  }
0x147: {  	v59 =	vld [tilespmem:s8+$0xFFFFFFA0];
	[tilespmem:s7+$0x30] =	vst v3;
	v3 =	vmul.f32 v56, v5  }
0x148: {  	[tilespmem:s7+$0xFFFFFF90] =	vst v2;
	v2 =	vmul.f32 v58, v7  }
0x149: {  	[tilespmem:s11+$0x20] =	vst v3;
	v4 =	vmul.f32 v54, v8  }
0x14a: {  	v1 =	vmul.f32 v12, v1;
	[tilespmem:s11+$0x70] =	vst v2  }
0x14b: {  	v2 =	vld [tilespmem:s8+$0x30];
	[tilespmem:s11+$0xFFFFFFD0] =	vst v4  }
0x14c: {  	[tilespmem:s7+$0x80] =	vst v1;
	v60 =	vmul.f32 v59, v6;
	v1 =	vld [tilespmem:s8+$0xFFFFFFF0]  }
0x14d: {  	[tilespmem:s7+$0xFFFFFFA0] =	vst v53  }
0x14e: {  	v61 =	vnsel vm0, $0x0, v5;
	v3 =	vld [tilespmem:s8+$0x70];
	[tilespmem:s11+$0xFFFFFF80] =	vst v60  }
0x14f: {  	[tilespmem:s11+$0x40] =	vst v61;
	v62 =	vld [tilespmem:s8+$0xFFFFFFB0]  }
0x150: {  	v63 =	vnsel vm0, $0x0, v6;
	[tilespmem:s11+$0xFFFFFFF0] =	vst v11;
	v2 =	vmul.f32 v2, v5  }
0x151: {  	s31 =	sadd.s32 $0x1, s31;
	[tilespmem:s11+$0xFFFFFFA0] =	vst v63;
	v1 =	vmul.f32 v1, v8  }
0x152: {  	p0 =	sne.s32 s31, $0x28;
	[tilespmem:s11+$0x30] =	vst v2  }
.Ltmp3:
0x153: {  	v3 =	vmul.f32 v3, v7;
	[tilespmem:s11+$0xFFFFFFE0] =	vst v1;
	v1 =	vnsel vm0, $0x0, v7;
	(pc) =	sbr.rel @p0 .LBB2_4-.Ltmp3, $4  }
0x154: {  	[tilespmem:s11+$0x90] =	vst v1;
	v1 =	vmul.f32 v62, v6  }
0x155: {  	[tilespmem:s11+$0x80] =	vst v3  }
0x156: {  	[tilespmem:s11+$0xFFFFFF90] =	vst v1  }
0x157: {  	[spmem:s4] =	stream.indirect.scatter.add.f32 [tilespmem:s29], [sflag:$0x4], $0x50, s1, s20, $0xb8;
	[tilespmem:$0x1AB90] =	vst v63  }
0x158: {  	_ =	swait.ge [sflag:s19], $0x2000  }
0x159: {  	[sflag:s19] =	ssyncset.done $0x0  }
0x15a: {  	[sflag:s19] =	ssyncadd.s32 $0xFFFFE000  }
0x15b: {  	_ =	swait.ge [sflag:s19], $0x80  }
0x15c: {  	[sflag:s19] =	ssyncset.done $0x0  }
0x15d: {  	[sflag:s19] =	ssyncadd.s32 $0xFFFFFF80  }
0x15e: {  	_ =	swait.ge [sflag:s19], $0x80  }
0x15f: {  	[sflag:s19] =	ssyncset.done $0x0  }
0x160: {  	s15 =	simm.s32 $0x3;
	[sflag:s19] =	ssyncadd.s32 $0xFFFFFF80  }
0x161: {  	_ =	swait.ge [sflag:s15], $0x2800  }
0x162: {  	[sflag:s15] =	ssyncset.done $0x0  }
0x163: {  	[sflag:s15] =	ssyncadd.s32 $0xFFFFD800  }
0x164: {  	v1 =	vld [tilespmem:$0x9100]  }
0x165: {  	v2 =	vld [tilespmem:$0x9200]  }
0x166: {  	v3 =	vld [tilespmem:$0x9110]  }
0x167: {  	v4 =	vld [tilespmem:$0x9210]  }
0x168: {  	v5 =	vld [tilespmem:$0x9120]  }
0x169: {  	v6 =	vld [tilespmem:$0x9220]  }
0x16a: {  	v7 =	vld [tilespmem:$0xE380]  }
0x16b: {  	v8 =	vld [tilespmem:$0x9230];
	v1 =	vadd.f32 v2, v1  }
0x16c: {  	v2 =	vld [tilespmem:$0x9130]  }
0x16d: {  	v10 =	vld [tilespmem:$0x9150];
	v3 =	vadd.f32 v4, v3;
	v9 =	vmul.f32 $2.000000030e-01, v1  }
0x16e: {  	v12 =	vld [tilespmem:$0x9250];
	v5 =	vadd.f32 v6, v5;
	vm1 =	vge.f32 v1, $0.0e+00  }
0x16f: {  	v4 =	vld [tilespmem:$0x9140];
	v1 =	vsel vm1, v1, v9;
	v9 =	vmul.f32 $2.000000030e-01, v3  }
0x170: {  	v6 =	vld [tilespmem:$0x9240];
	v11 =	vmul.f32 $2.000000030e-01, v5;
	vm1 =	vge.f32 v3, $0.0e+00;
	v1 =	vsub.f32 v1, v7  }
0x171: {  	v13 =	vld [tilespmem:$0x9170];
	v2 =	vadd.f32 v8, v2;
	v3 =	vsel vm1, v3, v9;
	vm1 =	vge.f32 v5, $0.0e+00  }
0x172: {  	v8 =	vld [tilespmem:$0x9160];
	v1 =	vmul.f32 $1.442695020e+00, v1;
	v3 =	vsub.f32 v3, v7;
	v5 =	vsel vm1, v5, v11  }
0x173: {  	v9 =	vld [tilespmem:$0x9260];
	v11 =	vmul.f32 $2.000000030e-01, v2;
	v5 =	vsub.f32 v5, v7  }
0x174: {  	vm1 =	vge.f32 v2, $0.0e+00;
	(erf) = vpow2.f32 v1;
	v1 =	vmul.f32 $1.442695020e+00, v3;
	v3 =	vld [tilespmem:$0x9270]  }
0x175: {  	v4 =	vadd.f32 v6, v4;
	v2 =	vsel vm1, v2, v11;
	v5 =	vmul.f32 $1.442695020e+00, v5  }
0x176: {  	(erf) = vpow2.f32 v1;
	v1 =	vsub.f32 v2, v7  }
0x177: {  	v2 =	vmul.f32 $2.000000030e-01, v4;
	(erf) = vpow2.f32 v5;
	v5 =	vadd.f32 v12, v10  }
0x178: {  	vm1 =	vge.f32 v4, $0.0e+00;
	v6 =	vadd.f32 v9, v8;
	v1 =	vmul.f32 $1.442695020e+00, v1  }
0x179: {  	v2 =	vsel vm1, v4, v2;
	v4 =	vmul.f32 $2.000000030e-01, v5;
	v3 =	vadd.f32 v3, v13  }
0x17a: {  	v8 =	vmul.f32 $2.000000030e-01, v6;
	v2 =	vsub.f32 v2, v7;
	vm1 =	vge.f32 v5, $0.0e+00  }
0x17b: {  	v4 =	vsel vm1, v5, v4;
	vm1 =	vge.f32 v6, $0.0e+00;
	v5 =	vmul.f32 $2.000000030e-01, v3  }
0x17c: {  	v4 =	vsub.f32 v4, v7;
	v6 =	vsel vm1, v6, v8;
	vm1 =	vge.f32 v3, $0.0e+00  }
0x17d: {  	v2 =	vmul.f32 $1.442695020e+00, v2;
	v6 =	vsub.f32 v6, v7;
	v3 =	vsel vm1, v3, v5  }
0x17e: {  	(erf) = vpow2.f32 v1;
	v1 =	vmul.f32 $1.442695020e+00, v4;
	v3 =	vsub.f32 v3, v7  }
0x17f: {  	(erf) = vpow2.f32 v2;
	v2 =	vmul.f32 $1.442695020e+00, v6  }
0x180: {  	(erf) = vpow2.f32 v1;
	v1 =	vmul.f32 $1.442695020e+00, v3  }
0x181: {  	(erf) = vpow2.f32 v2  }
0x182: {  	(erf) = vpow2.f32 v1;
	_ =	sdelay $0x1  }
0x183: {  	v1 =	vpop (erf)  }
0x184: {  	v2 =	vpop (erf);
	[tilespmem:$0x9300] =	vst v1  }
0x185: {  	v1 =	vpop (erf);
	[tilespmem:$0x9310] =	vst v2  }
0x186: {  	v2 =	vpop (erf);
	[tilespmem:$0x9320] =	vst v1  }
0x187: {  	v1 =	vpop (erf);
	[tilespmem:$0x9330] =	vst v2  }
0x188: {  	v2 =	vpop (erf);
	[tilespmem:$0x9340] =	vst v1  }
0x189: {  	v1 =	vpop (erf);
	[tilespmem:$0x9350] =	vst v2  }
0x18a: {  	s3 =	simm.s32 $0x0;
	[tilespmem:$0x9360] =	vst v1;
	v1 =	vpop (erf)  }
0x18b: {  	s1 =	sand.u32 $0x70, s3;
	[tilespmem:$0x9370] =	vst v1  }
0x18c: {  	v2 =	vld [tilespmem:s1+$0x9300]  }
0x18d: {  	s7 =	simm.s32 $0x5180  }
0x18e: {  	s14 =	sand.u32 $0xF, s3;
	v3 =	vld [tilespmem:s7+$0xFFFFFFC0]  }
0x18f: {  	s5 =	sadd.s32 $0x1, s14;
	v5 =	vld [tilespmem:s7+$0x40]  }
0x190: {  	s8 =	sadd.s32 $0x3, s14;
	v1 =	vmov s5  }
0x191: {  	v6 =	vmov s8;
	v7 =	vld [tilespmem:s7+$0x0];
	v4 =	vperm.xlane v2, v1  }
0x192: {  	s1 =	sadd.s32 $0x2, s14;
	v1 =	vperm.xlane v2, v6  }
0x193: {  	v8 =	vmov s1;
	v6 =	vld [tilespmem:s7+$0xFFFFFF80];
	v9 =	vmul.f32 v3, v4  }
0x194: {  	s3 =	sand.u32 $0xC, s3;
	s1 =	simm.s32 $0x9420;
	v3 =	vperm.xlane v2, v8;
	v5 =	vmul.f32 v5, v1  }
0x195: {  	v8 =	vmov s3;
	[tilespmem:s1+$0xFFFFFFB0] =	vst v9  }
0x196: {  	v2 =	vperm.xlane v2, v8;
	v7 =	vmul.f32 v7, v3;
	[tilespmem:s1+$0x50] =	vst v5;
	v5 =	vld [tilespmem:s7+$0xFFFFFFD0]  }
0x197: {  	s5 =	simm.s32 $0x5280;
	v8 =	vld [tilespmem:s7+$0x50]  }
0x198: {  	s18 =	simm.s32 $0x4;
	v10 =	vld [tilespmem:s5+$0x0];
	v6 =	vmul.f32 v6, v2;
	[tilespmem:s1+$0x0] =	vst v7  }
0x199: {  	s30 =	sand.u32 $0x70, s18;
	v7 =	vld [tilespmem:s7+$0x10]  }
0x19a: {  	[tilespmem:s1+$0xFFFFFF60] =	vst v6;
	v6 =	vld [tilespmem:s30+$0x9300]  }
0x19b: {  	v9 =	vld [tilespmem:s7+$0xFFFFFF90];
	v5 =	vmul.f32 v5, v4  }
0x19c: {  	s31 =	sand.u32 $0xF, s18;
	v11 =	vld [tilespmem:s5+$0x40];
	v8 =	vmul.f32 v8, v1  }
0x19d: {  	s10 =	sadd.s32 $0x3, s31;
	v15 =	vld [tilespmem:s5+$0xFFFFFFC0];
	[tilespmem:s1+$0xFFFFFFC0] =	vst v5  }
0x19e: {  	s9 =	sadd.s32 $0x2, s31;
	v16 =	vld [tilespmem:s5+$0xFFFFFF80];
	[tilespmem:s1+$0x60] =	vst v8;
	v8 =	vmul.f32 v7, v3;
	v7 =	vmov s10  }
0x19f: {  	s8 =	sadd.s32 $0x1, s31;
	v5 =	vmov s9;
	v12 =	vld [tilespmem:s7+$0xFFFFFFE0];
	v7 =	vperm.xlane v6, v7  }
0x1a0: {  	v5 =	vperm.xlane v6, v5;
	v14 =	vld [tilespmem:s7+$0x60];
	v9 =	vmul.f32 v9, v2;
	[tilespmem:s1+$0x10] =	vst v8;
	v8 =	vmov s8  }
0x1a1: {  	s3 =	sand.u32 $0xC, s18;
	v11 =	vmul.f32 v11, v7;
	v8 =	vperm.xlane v6, v8  }
0x1a2: {  	s10 =	simm.s32 $0x9560;
	v10 =	vmul.f32 v10, v5;
	[tilespmem:s1+$0xFFFFFF70] =	vst v9;
	v9 =	vmov s3  }
0x1a3: {  	v17 =	vld [tilespmem:s7+$0x20];
	v6 =	vperm.xlane v6, v9;
	[tilespmem:s10+$0x50] =	vst v11;
	v11 =	vmul.f32 v15, v8  }
0x1a4: {  	v18 =	vld [tilespmem:s7+$0xFFFFFFA0];
	[tilespmem:s10+$0x0] =	vst v10;
	v12 =	vmul.f32 v12, v4  }
0x1a5: {  	v13 =	vld [tilespmem:s5+$0x10];
	v9 =	vmul.f32 v14, v1;
	v14 =	vmul.f32 v16, v6;
	[tilespmem:s10+$0xFFFFFFB0] =	vst v11  }
0x1a6: {  	v10 =	vld [tilespmem:s5+$0x50];
	[tilespmem:s1+$0xFFFFFFD0] =	vst v12  }
0x1a7: {  	[tilespmem:s10+$0xFFFFFF60] =	vst v14;
	v14 =	vld [tilespmem:s5+$0xFFFFFFD0]  }
0x1a8: {  	v11 =	vnsel vm0, $0x0, v8;
	[tilespmem:s1+$0x70] =	vst v9;
	v15 =	vld [tilespmem:s7+$0xFFFFFFF0]  }
0x1a9: {  	s11 =	simm.s32 $0x5280;
	s8 =	simm.s32 $0x9560;
	s3 =	simm.s32 $0x8;
	v9 =	vnsel vm0, $0x0, v4;
	v17 =	vmul.f32 v17, v3;
	v12 =	vld [tilespmem:s7+$0x70];
	v16 =	vmul.f32 v18, v2  }
.LBB2_10:
0x1aa: {  	s9 =	sand.u32 $0x70, s3  }
0x1ab: {  	v18 =	vld [tilespmem:s5+$0xFFFFFF90];
	s11 =	sadd.s32 $0x100, s11;
	[tilespmem:s1+$0x20] =	vst v17;
	s13 =	smov.u32 s3;
	s12 =	sadd.s32 $0x4, s3  }
0x1ac: {  	p0 =	slt.u32 s3, $0x7C;
	v19 =	vnsel vm0, $0x0, v3;
	[tilespmem:s1+$0xFFFFFFF0] =	vst v9;
	v17 =	vld [tilespmem:s7+$0x30];
	v9 =	vmov v11  }
0x1ad: {  	v13 =	vmul.f32 v13, v5;
	v11 =	vld [tilespmem:s9+$0x9300];
	v15 =	vmul.f32 v15, v4;
	[tilespmem:s1+$0x40] =	vst v19;
	v4 =	vmov v8  }
0x1ae: {  	s3 =	sand.u32 $0xC, s13;
	s9 =	sand.u32 $0xF, s13;
	v19 =	vld [tilespmem:s11+$0xFFFFFFC0];
	[tilespmem:s1+$0xFFFFFF80] =	vst v16;
	v8 =	vmul.f32 v12, v1  }
0x1af: {  	s13 =	sadd.s32 $0x1, s9;
	s14 =	sadd.s32 $0x2, s9;
	s9 =	sadd.s32 $0x3, s9;
	v16 =	vnsel vm0, $0x0, v2;
	v12 =	vld [tilespmem:s7+$0xFFFFFFB0];
	[tilespmem:s1+$0xFFFFFFE0] =	vst v15;
	v15 =	vnsel vm0, $0x0, v1;
	v1 =	vmov v7  }
0x1b0: {  	v20 =	vmov s3;
	v7 =	vmov s9;
	v14 =	vmul.f32 v14, v4;
	s7 =	smov.u32 s5;
	s5 =	smov.u32 s11;
	v21 =	vld [tilespmem:s11+$0x40];
	[tilespmem:s1+$0xFFFFFFA0] =	vst v16  }
0x1b1: {  	v16 =	vmov s13;
	v18 =	vmul.f32 v18, v6;
	v22 =	vld [tilespmem:s11+$0x0];
	v17 =	vmul.f32 v17, v3;
	[tilespmem:s1+$0x90] =	vst v15;
	v3 =	vmovc v5  }
0x1b2: {  	v10 =	vmul.f32 v10, v1;
	v5 =	vmov s14;
	v15 =	vld [tilespmem:s11+$0xFFFFFF80];
	[tilespmem:s10+$0xFFFFFFC0] =	vst v14  }
0x1b3: {  	v7 =	vperm.xlane v11, v7;
	v14 =	vld [tilespmem:s7+$0xFFFFFFE0];
	[tilespmem:s1+$0x30] =	vst v17  }
0x1b4: {  	v5 =	vperm.xlane v11, v5;
	s10 =	sadd.s32 $0x140, s10;
	[tilespmem:s8+$0x60] =	vst v10;
	v10 =	vmul.f32 v12, v2;
	v2 =	vmov v6  }
0x1b5: {  	v6 =	vperm.xlane v11, v20;
	v12 =	vld [tilespmem:s7+$0x60];
	[tilespmem:s1+$0x80] =	vst v8  }
0x1b6: {  	v8 =	vperm.xlane v11, v16;
	v16 =	vmul.f32 v22, v5;
	[tilespmem:s1+$0xFFFFFF90] =	vst v10;
	s1 =	smov.u32 s8;
	s8 =	smov.u32 s10  }
0x1b7: {  	v10 =	vmul.f32 v21, v7;
	v20 =	vmul.f32 v15, v6;
	[tilespmem:s1+$0x10] =	vst v13  }
0x1b8: {  	v17 =	vmul.f32 v19, v8;
	v11 =	vnsel vm0, $0x0, v8;
	[tilespmem:s1+$0xFFFFFF70] =	vst v18;
	v14 =	vmul.f32 v14, v4;
	v18 =	vld [tilespmem:s7+$0x20]  }
0x1b9: {  	[tilespmem:s10+$0x0] =	vst v16;
	v16 =	vld [tilespmem:s7+$0xFFFFFFA0]  }
.Ltmp4:
0x1ba: {  	v13 =	vld [tilespmem:s11+$0x10];
	[tilespmem:s10+$0x50] =	vst v10;
	v12 =	vmul.f32 v12, v1;
	(pc) =	sbr.rel @p0 .LBB2_10-.Ltmp4, $4  }
0x1bb: {  	v10 =	vld [tilespmem:s11+$0x50];
	[tilespmem:s1+$0xFFFFFFD0] =	vst v14  }
0x1bc: {  	v15 =	vld [tilespmem:s7+$0xFFFFFFF0];
	[tilespmem:s1+$0x70] =	vst v12  }
0x1bd: {  	[tilespmem:s10+$0xFFFFFFB0] =	vst v17;
	v17 =	vmul.f32 v18, v3;
	v12 =	vld [tilespmem:s7+$0x70]  }
0x1be: {  	s3 =	smov.u32 s12;
	[tilespmem:s10+$0xFFFFFF60] =	vst v20;
	v14 =	vld [tilespmem:s11+$0xFFFFFFD0];
	v16 =	vmul.f32 v16, v2  }
0x1bf: {  	[tilespmem:s1+$0x20] =	vst v17  }
0x1c0: {  	[tilespmem:s1+$0xFFFFFFF0] =	vst v9;
	v51 =	vnsel vm0, $0x0, v3;
	v18 =	vld [tilespmem:s5+$0xFFFFFF90]  }
0x1c1: {  	v13 =	vmul.f32 v13, v5;
	v50 =	vld [tilespmem:s7+$0x30];
	[tilespmem:s1+$0x40] =	vst v51  }
0x1c2: {  	[tilespmem:s1+$0xFFFFFF80] =	vst v16;
	v10 =	vmul.f32 v10, v7  }
0x1c3: {  	v52 =	vld [tilespmem:s7+$0xFFFFFFB0];
	[tilespmem:s8+$0x10] =	vst v13;
	v14 =	vmul.f32 v14, v8  }
0x1c4: {  	[tilespmem:s8+$0x60] =	vst v10;
	v56 =	vld [tilespmem:s5+$0x20]  }
0x1c5: {  	v57 =	vnsel vm0, $0x0, v1;
	v4 =	vmul.f32 v15, v4;
	v58 =	vld [tilespmem:s5+$0x60];
	[tilespmem:s10+$0xFFFFFFC0] =	vst v14  }
0x1c6: {  	[tilespmem:s1+$0x90] =	vst v57;
	v55 =	vmul.f32 v18, v6;
	v54 =	vld [tilespmem:s5+$0xFFFFFFE0]  }
0x1c7: {  	[tilespmem:s1+$0xFFFFFFE0] =	vst v4;
	v3 =	vmul.f32 v50, v3  }
0x1c8: {  	v53 =	vnsel vm0, $0x0, v2;
	[tilespmem:s8+$0xFFFFFF70] =	vst v55;
	v2 =	vmul.f32 v52, v2  }
0x1c9: {  	v59 =	vld [tilespmem:s5+$0xFFFFFFA0];
	[tilespmem:s1+$0x30] =	vst v3;
	v3 =	vmul.f32 v56, v5  }
0x1ca: {  	[tilespmem:s1+$0xFFFFFF90] =	vst v2;
	v2 =	vmul.f32 v58, v7  }
0x1cb: {  	[tilespmem:s8+$0x20] =	vst v3;
	v4 =	vmul.f32 v54, v8  }
0x1cc: {  	v1 =	vmul.f32 v12, v1;
	[tilespmem:s8+$0x70] =	vst v2  }
0x1cd: {  	v2 =	vld [tilespmem:s5+$0x30];
	[tilespmem:s8+$0xFFFFFFD0] =	vst v4  }
0x1ce: {  	[tilespmem:s1+$0x80] =	vst v1;
	v60 =	vmul.f32 v59, v6;
	v1 =	vld [tilespmem:s5+$0xFFFFFFF0]  }
0x1cf: {  	[tilespmem:s1+$0xFFFFFFA0] =	vst v53  }
0x1d0: {  	v61 =	vnsel vm0, $0x0, v5;
	v3 =	vld [tilespmem:s5+$0x70];
	[tilespmem:s8+$0xFFFFFF80] =	vst v60  }
0x1d1: {  	[tilespmem:s8+$0x40] =	vst v61;
	v62 =	vld [tilespmem:s5+$0xFFFFFFB0]  }
0x1d2: {  	v63 =	vnsel vm0, $0x0, v6;
	[tilespmem:s8+$0xFFFFFFF0] =	vst v11;
	v2 =	vmul.f32 v2, v5  }
0x1d3: {  	[tilespmem:s8+$0xFFFFFFA0] =	vst v63;
	v1 =	vmul.f32 v1, v8  }
0x1d4: {  	[tilespmem:s8+$0x30] =	vst v2  }
0x1d5: {  	v3 =	vmul.f32 v3, v7;
	[tilespmem:s8+$0xFFFFFFE0] =	vst v1;
	v1 =	vnsel vm0, $0x0, v7  }
0x1d6: {  	[tilespmem:s8+$0x90] =	vst v1;
	v1 =	vmul.f32 v62, v6  }
0x1d7: {  	[tilespmem:s8+$0x80] =	vst v3  }
0x1d8: {  	s13 =	simm.s32 $0x5080;
	s14 =	simm.s32 $0x4;
	[tilespmem:s8+$0xFFFFFF90] =	vst v1  }
0x1d9: {  	[spmem:s4] =	stream.indirect.scatter.add.f32 [tilespmem:s16], [sflag:$0x3], $0x50, s13, s20, $0xb8;
	[tilespmem:$0x1AB90] =	vst v63  }
0x1da: {  	_ =	swait.ge [sflag:s14], $0x2800  }
0x1db: {  	[sflag:s14] =	ssyncset.done $0x0  }
0x1dc: {  	[sflag:s14] =	ssyncadd.s32 $0xFFFFD800  }
0x1dd: {  	_ =	swait.ge [sflag:s15], $0x2800  }
0x1de: {  	[sflag:s15] =	ssyncset.done $0x0  }
0x1df: {  	[sflag:s15] =	ssyncadd.s32 $0xFFFFD800  }
0x1e0: {  	s15 =	stileid.u32;
	[bflag:$0x0] =	sbarrier.arrive $0xFFFF  }
0x1e1: {  	s1 =	sshll.u32 s15, $0x6;
	s9 =	rddreg [dreg:$0x7]  }
0x1e2: {  	s1 =	sor.u32 $0x1C05, s1;
	s18 =	rddreg [dreg:$0xc];
	s3 =	sshrl.u32 s9, $0x3  }
0x1e3: {  	[hbm:s18], [sflag:s1] =	dma.local [spmem:s3], $0x1900  }
0x1e4: {  	_ =	swait.ge [sflag:s17], $0x1900  }
0x1e5: {  	s30 =	rddreg [dreg:$0xe]  }
0x1e6: {  	s31 =	rddreg [dreg:$0xd];
	s3 =	sadd.s32 $0x1, s30  }
0x1e7: {  	p0 =	sne.s32 s3, s31  }
.Ltmp5:
0x1e8: {  	_ = 	snop;
	(pc) =	sbr.rel @p0 .LBB2_1-.Ltmp5, $3  }
0x1e9: {  	_ =	sdelay $0x1  }
0x1ea: {  	[sflag:s17] =	ssyncset.done $0x0  }
0x1eb: {  	[sflag:s17] =	ssyncadd.s32 $0xFFFFE700  }
0x1ec: {  	_ =	sfence.sel $0x180000  }
0x1ed: {  	[bflag:$0x0] =	sbarrier.arrive $0xFFFF  }
0x1ee: {  	_ =	strace $0x90000047  }
0x1ef: {  	s0 =	stileid.u32;
	[bflag:$0x2] =	sbarrier.arrive $0xFFFF  }
0x1f0: {  	p0 =	sne.s32 s0, $0x0;
	s0 =	rddreg [dreg:$0x4]  }
0x1f1: {  	s0 =	sadd.s32 @!p0 $0x100000, s0  }
0x1f2: {  	[sflag:s0] =	ssyncadd.tile.s32 @!p0 $0x1;
	_ =	shalt  }
.Lfunc_end2:
_tile_overlayer_lowered:
.L_overlay_start_2:
0x1f3: {  	(tag) =	ssettag $0x2  }
0x1f4: {  	s0 =	rddreg [dreg:$0x0];
	s2 =	stileid.u32  }
0x1f5: {  	s1 =	rddreg [dreg:$0x1];
	p0 =	sne.s32 s2, $0x0  }
0x1f6: {  	s3 =	rddreg [dreg:$0x2];
	[bflag:$0x3] =	sbarrier.arrive $0xFFFF;
	s2 =	simm.s32 @!p0 $0x1C05  }
0x1f7: {  	[timem:s3], [sflag:s2] =	dma.local @!p0 [hbm:s0], s1  }
0x1f8: {  	s0 =	simm.s32 @!p0 $0x5  }
0x1f9: {  	_ =	swait.ge @!p0 [sflag:s0], s1  }
0x1fa: {  	s1 =	ssub.s32 @!p0 $0x0, s1;
	[sflag:s0] =	ssyncset.done @!p0 $0x0  }
0x1fb: {  	[sflag:s0] =	ssyncadd.s32 @!p0 s1  }
0x1fc: {  	[bflag:$0x3] =	sbarrier.arrive $0xFFFF  }
0x1fd: {  	_ =	shalt  }

</sc_bundles>
